<compile_context>
chip_gen: v7x
topology: tpu7x:2x2x1
jax: 0.10.2.dev20260603
libtpu: 0.0.44.dev20260713+nightly
codegen_flags: <defaults>
</compile_context>

<pallas_src>
import functools

import jax
import jax.numpy as jnp
from jax import lax
from jax.experimental import pallas as pl
from jax.experimental.pallas import tpu as pltpu
from jax.experimental.pallas import tpu_sc as plsc

_B = 16384
_D = 64
_NC = 2
_NS = 16
_NW = _NC * _NS
_BPW = _B // _NW
_CH = 256
_NCHUNK = _BPW // _CH


@functools.cache
def _make_sc_gather():
    mesh = plsc.VectorSubcoreMesh(core_axis_name="c", subcore_axis_name="s")

    @functools.partial(
        pl.kernel,
        mesh=mesh,
        out_type=[
            jax.ShapeDtypeStruct((_B, _D), jnp.float32),
            jax.ShapeDtypeStruct((_B, _D), jnp.float32),
        ],
        scratch_types=[
            pltpu.VMEM((_BPW,), jnp.int32),
            pltpu.VMEM((_BPW,), jnp.int32),
            pltpu.VMEM((_CH, _D), jnp.float32),
            pltpu.VMEM((_CH, _D), jnp.float32),
            pltpu.SemaphoreType.DMA,
            pltpu.SemaphoreType.DMA,
        ],
    )
    def _sc_gather(uidx_hbm, midx_hbm, utab_hbm, mtab_hbm,
                   uout_hbm, mout_hbm,
                   uidx_s, midx_s, urows_v, mrows_v, usem, msem):
        wid = lax.axis_index("s") * _NC + lax.axis_index("c")
        base = wid * _BPW
        pltpu.sync_copy(uidx_hbm.at[pl.ds(base, _BPW)], uidx_s)
        pltpu.sync_copy(midx_hbm.at[pl.ds(base, _BPW)], midx_s)

        for c in range(_NCHUNK):
            coff = c * _CH

            def body(g, carry):
                src_i = coff + g * 16
                dst_i = g * 16
                uvec = uidx_s[pl.ds(src_i, 16)]
                mvec = midx_s[pl.ds(src_i, 16)]
                for j in range(16):
                    pltpu.async_copy(
                        utab_hbm.at[pl.ds(uvec[j], 1)],
                        urows_v.at[pl.ds(dst_i + j, 1)], usem)
                    pltpu.async_copy(
                        mtab_hbm.at[pl.ds(mvec[j], 1)],
                        mrows_v.at[pl.ds(dst_i + j, 1)], msem)
                return carry

            lax.fori_loop(0, _CH // 16, body, 0)
            pltpu.make_async_copy(
                utab_hbm.at[pl.ds(0, _CH)], urows_v, usem).wait()
            pltpu.make_async_copy(
                mtab_hbm.at[pl.ds(0, _CH)], mrows_v, msem).wait()
            pltpu.sync_copy(urows_v, uout_hbm.at[pl.ds(base + coff, _CH)])
            pltpu.sync_copy(mrows_v, mout_hbm.at[pl.ds(base + coff, _CH)])

    return _sc_gather


def _mlp_body(u_ref, m_ref, w1_ref, b1_ref, w2t_ref, b2_ref, o_ref):
    w1 = w1_ref[...]
    h = jnp.dot(u_ref[...], w1[:_D], preferred_element_type=jnp.float32)
    h = h + jnp.dot(m_ref[...], w1[_D:], preferred_element_type=jnp.float32)
    h = jnp.maximum(h + b1_ref[...], 0.0)
    o_ref[...] = jnp.sum(h * w2t_ref[...], axis=1, keepdims=True) + b2_ref[...]


_MLP_BS = 4096


def _mlp(u, m, w1, b1, w2t, b2):
    grid = (_B // _MLP_BS,)
    return pl.pallas_call(
        _mlp_body,
        grid=grid,
        in_specs=[
            pl.BlockSpec((_MLP_BS, _D), lambda i: (i, 0)),
            pl.BlockSpec((_MLP_BS, _D), lambda i: (i, 0)),
            pl.BlockSpec((2 * _D, _D), lambda i: (0, 0)),
            pl.BlockSpec((1, _D), lambda i: (0, 0)),
            pl.BlockSpec((1, _D), lambda i: (0, 0)),
            pl.BlockSpec((1, 1), lambda i: (0, 0)),
        ],
        out_specs=pl.BlockSpec((_MLP_BS, 1), lambda i: (i, 0)),
        out_shape=jax.ShapeDtypeStruct((_B, 1), jnp.float32),
    )(u, m, w1, b1, w2t, b2)


def kernel(user_id, movie_id, user_table, movie_table, W1, b1, W2, b2):
    uidx = user_id.astype(jnp.int32)
    midx = movie_id.astype(jnp.int32)
    u, m = _make_sc_gather()(uidx, midx, user_table, movie_table)
    return _mlp(u, m, W1, b1.reshape(1, _D), W2.reshape(1, _D),
                b2.reshape(1, 1))

# --- scband reference (transcript-rebuilt; emitter-appended) ---
"""Pipeline reference for scband-neural-collaborative-filtering-45767171506652 (READ-ONLY COPY).

The authoritative reference and input builder live on the scoring server;
editing this copy changes nothing except your own understanding.
"""

import jax, jax.numpy as jnp
import numpy as np

NUM_USERS = 1000000
NUM_MOVIES = 1000000
EMBED_DIM = 64
HIDDEN_DIM = 64
BATCH = 16384


def setup_inputs(seed: int = 0) -> dict:
    key = jax.random.key(seed)
    k1, k2, k3, k4, k5, k6, k7, k8 = jax.random.split(key, 8)
    user_id = jax.random.randint(k1, (BATCH,), 0, NUM_USERS, dtype=jnp.int32).astype(jnp.int64)
    movie_id = jax.random.randint(k2, (BATCH,), 0, NUM_MOVIES, dtype=jnp.int32).astype(jnp.int64)
    user_table = jax.random.normal(k3, (NUM_USERS, EMBED_DIM), dtype=jnp.float32) * 0.05
    movie_table = jax.random.normal(k4, (NUM_MOVIES, EMBED_DIM), dtype=jnp.float32) * 0.05
    W1 = jax.random.normal(k5, (2 * EMBED_DIM, HIDDEN_DIM), dtype=jnp.float32) * (1.0 / np.sqrt(2 * EMBED_DIM))
    b1 = jnp.zeros((HIDDEN_DIM,), dtype=jnp.float32)
    W2 = jax.random.normal(k6, (HIDDEN_DIM, 1), dtype=jnp.float32) * (1.0 / np.sqrt(HIDDEN_DIM))
    b2 = jnp.zeros((1,), dtype=jnp.float32)
    return {
        "user_id": user_id,
        "movie_id": movie_id,
        "user_table": user_table,
        "movie_table": movie_table,
        "W1": W1,
        "b1": b1,
        "W2": W2,
        "b2": b2,
    }


def reference(user_id, movie_id, user_table, movie_table, W1, b1, W2, b2):
    # Embedding lookups (gather)
    user_emb = jnp.take(user_table, user_id, axis=0)    # [B, 64]
    movie_emb = jnp.take(movie_table, movie_id, axis=0)  # [B, 64]
    x = jnp.concatenate([user_emb, movie_emb], axis=1)   # [B, 128]
    x = jax.nn.relu(x @ W1 + b1)                          # [B, 64]
    x = x @ W2 + b2                                       # [B, 1]
    return x

if __name__ == "__main__":
    import jax
    _d = setup_inputs()
    print(jax.jit(kernel)(*tuple(_d.values())))

</pallas_src>

<mosaic_0001>
#map = affine_map<(d0, d1) -> (0)>
#map1 = affine_map<(d0, d1) -> (0, 0)>
module attributes {stable_mosaic.version = 14 : i64} {
  func.func @_sc_gather(%arg0: i32, %arg1: i32, %arg2: memref<16384xi32, #tpu.memory_space<hbm>>, %arg3: memref<16384xi32, #tpu.memory_space<hbm>>, %arg4: memref<1000000x64xf32, #tpu.memory_space<hbm>>, %arg5: memref<1000000x64xf32, #tpu.memory_space<hbm>>, %arg6: memref<16384x64xf32, #tpu.memory_space<hbm>>, %arg7: memref<16384x64xf32, #tpu.memory_space<hbm>>, %arg8: memref<512xi32, #tpu.memory_space<vmem>>, %arg9: memref<512xi32, #tpu.memory_space<vmem>>, %arg10: memref<256x64xf32, #tpu.memory_space<vmem>>, %arg11: memref<256x64xf32, #tpu.memory_space<vmem>>, %arg12: memref<!tpu.dma_semaphore, #tpu.memory_space<semaphore_mem>>, %arg13: memref<!tpu.dma_semaphore, #tpu.memory_space<semaphore_mem>>) attributes {dimension_semantics = [#tpu.dimension_semantics<core_parallel>, #tpu.dimension_semantics<subcore_parallel>], iteration_bounds = array<i64: 2, 16>, scalar_prefetch = 0 : i64, scratch_operands = 6 : i64, tpu.core_type = #tpu.core_type<sc_vector_subcore>, window_params = [{transform_indices = #map}, {transform_indices = #map}, {transform_indices = #map1}, {transform_indices = #map1}, {transform_indices = #map1}, {transform_indices = #map1}]} {
    %mul3A = arith.constant 2 : i32
    %mul3A_0 = arith.muli %arg1, %mul3A : i32
    %add3A = arith.addi %mul3A_0, %arg0 : i32
    %mul3A_1 = arith.constant 512 : i32
    %mul3A_2 = arith.muli %add3A, %mul3A_1 : i32
    "tpu.region"() ({
      %run_scoped3A = tpu.sem_alloc : memref<!tpu.dma_semaphore, #tpu.memory_space<semaphore_mem>>
      %dma_start3A = tpu.memref_slice %arg2[%mul3A_2] : memref<16384xi32, #tpu.memory_space<hbm>> -> memref<512xi32, #tpu.memory_space<hbm>>
      %dma_start3A_45 = tpu.memref_slice %arg2[%mul3A_2] : memref<16384xi32, #tpu.memory_space<hbm>> -> memref<512xi32, #tpu.memory_space<hbm>>
      tpu.enqueue_dma source(%dma_start3A_45 : memref<512xi32, #tpu.memory_space<hbm>>) target(%arg8 : memref<512xi32, #tpu.memory_space<vmem>>) target_semaphore(%run_scoped3A : memref<!tpu.dma_semaphore, #tpu.memory_space<semaphore_mem>>)
      %dma_wait3A_46 = tpu.memref_slice %arg2[%mul3A_2] : memref<16384xi32, #tpu.memory_space<hbm>> -> memref<512xi32, #tpu.memory_space<hbm>>
      %dma_wait3A_47 = tpu.memref_slice %arg2[%mul3A_2] : memref<16384xi32, #tpu.memory_space<hbm>> -> memref<512xi32, #tpu.memory_space<hbm>>
      tpu.wait_dma2 semaphore(%run_scoped3A : memref<!tpu.dma_semaphore, #tpu.memory_space<semaphore_mem>>) src(%dma_wait3A_47 : memref<512xi32, #tpu.memory_space<hbm>>) dst(%arg8 : memref<512xi32, #tpu.memory_space<vmem>>)
      tpu.yield
    }) : () -> ()
    "tpu.region"() ({
      %run_scoped3A = tpu.sem_alloc : memref<!tpu.dma_semaphore, #tpu.memory_space<semaphore_mem>>
      %dma_start3A = tpu.memref_slice %arg3[%mul3A_2] : memref<16384xi32, #tpu.memory_space<hbm>> -> memref<512xi32, #tpu.memory_space<hbm>>
      %dma_start3A_45 = tpu.memref_slice %arg3[%mul3A_2] : memref<16384xi32, #tpu.memory_space<hbm>> -> memref<512xi32, #tpu.memory_space<hbm>>
      tpu.enqueue_dma source(%dma_start3A_45 : memref<512xi32, #tpu.memory_space<hbm>>) target(%arg9 : memref<512xi32, #tpu.memory_space<vmem>>) target_semaphore(%run_scoped3A : memref<!tpu.dma_semaphore, #tpu.memory_space<semaphore_mem>>)
      %dma_wait3A_46 = tpu.memref_slice %arg3[%mul3A_2] : memref<16384xi32, #tpu.memory_space<hbm>> -> memref<512xi32, #tpu.memory_space<hbm>>
      %dma_wait3A_47 = tpu.memref_slice %arg3[%mul3A_2] : memref<16384xi32, #tpu.memory_space<hbm>> -> memref<512xi32, #tpu.memory_space<hbm>>
      tpu.wait_dma2 semaphore(%run_scoped3A : memref<!tpu.dma_semaphore, #tpu.memory_space<semaphore_mem>>) src(%dma_wait3A_47 : memref<512xi32, #tpu.memory_space<hbm>>) dst(%arg9 : memref<512xi32, #tpu.memory_space<vmem>>)
      tpu.yield
    }) : () -> ()
    %scan3A = arith.constant 0 : i32
    %scan3A_3 = arith.constant 0 : i32
    %scan3A_4 = arith.constant 16 : i32
    %scan3A_5 = arith.addi %scan3A_3, %scan3A_4 : i32
    %scan3A_6 = arith.constant 1 : i32
    scf.for %scan3A_45 = %scan3A_3 to %scan3A_5 step %scan3A_6  : i32 {
      %mul3A_46 = arith.constant 16 : i32
      %mul3A_47 = arith.muli %scan3A_45, %mul3A_46 : i32
      %add3A_48 = arith.constant 0 : i32
      %add3A_49 = arith.addi %add3A_48, %mul3A_47 : i32
      %mul3A_50 = arith.constant 16 : i32
      %mul3A_51 = arith.muli %scan3A_45, %mul3A_50 : i32
      %get3A = arith.index_cast %add3A_49 : i32 to index
      %get3A_52 = tpu.vector_load %arg8[%get3A] {strides = array<i32>} : memref<512xi32, #tpu.memory_space<vmem>>, vector<16xi32>,
      %get3A_53 = vector.shape_cast %get3A_52 : vector<16xi32> to vector<16xi32>
      %get3A_54 = arith.index_cast %add3A_49 : i32 to index
      %get3A_55 = tpu.vector_load %arg9[%get3A_54] {strides = array<i32>} : memref<512xi32, #tpu.memory_space<vmem>>, vector<16xi32>,
      %get3A_56 = vector.shape_cast %get3A_55 : vector<16xi32> to vector<16xi32>
      %slice3A = vector.extract_strided_slice %get3A_53 {offsets = [0], sizes = [1], strides = [1]} : vector<16xi32> to vector<1xi32>
      %squeeze3A = vector.extract %slice3A[0] : i32 from vector<1xi32>
      %add3A_57 = arith.constant 0 : i32
      %add3A_58 = arith.addi %mul3A_51, %add3A_57 : i32
      %dma_start3A = arith.constant 0 : i32
      %dma_start3A_59 = tpu.memref_slice %arg10[%add3A_58, %dma_start3A] : memref<256x64xf32, #tpu.memory_space<vmem>> -> memref<1x64xf32, #tpu.memory_space<vmem>>
      %dma_start3A_60 = arith.constant 0 : i32
      %dma_start3A_61 = tpu.memref_slice %arg4[%squeeze3A, %dma_start3A_60] : memref<1000000x64xf32, #tpu.memory_space<hbm>> -> memref<1x64xf32, #tpu.memory_space<hbm>>
      %dma_start3A_62 = arith.constant 0 : i32
      %dma_start3A_63 = tpu.memref_slice %arg10[%add3A_58, %dma_start3A_62] : memref<256x64xf32, #tpu.memory_space<vmem>> -> memref<1x64xf32, #tpu.memory_space<vmem>>
      %dma_start3A_64 = arith.constant 0 : i32
      %dma_start3A_65 = tpu.memref_slice %arg4[%squeeze3A, %dma_start3A_64] : memref<1000000x64xf32, #tpu.memory_space<hbm>> -> memref<1x64xf32, #tpu.memory_space<hbm>>
      tpu.enqueue_dma source(%dma_start3A_65 : memref<1x64xf32, #tpu.memory_space<hbm>>) target(%dma_start3A_63 : memref<1x64xf32, #tpu.memory_space<vmem>>) target_semaphore(%arg12 : memref<!tpu.dma_semaphore, #tpu.memory_space<semaphore_mem>>)
      %slice3A_66 = vector.extract_strided_slice %get3A_56 {offsets = [0], sizes = [1], strides = [1]} : vector<16xi32> to vector<1xi32>
      %squeeze3A_67 = vector.extract %slice3A_66[0] : i32 from vector<1xi32>
      %add3A_68 = arith.constant 0 : i32
      %add3A_69 = arith.addi %mul3A_51, %add3A_68 : i32
      %dma_start3A_70 = arith.constant 0 : i32
      %dma_start3A_71 = tpu.memref_slice %arg11[%add3A_69, %dma_start3A_70] : memref<256x64xf32, #tpu.memory_space<vmem>> -> memref<1x64xf32, #tpu.memory_space<vmem>>
      %dma_start3A_72 = arith.constant 0 : i32
      %dma_start3A_73 = tpu.memref_slice %arg5[%squeeze3A_67, %dma_start3A_72] : memref<1000000x64xf32, #tpu.memory_space<hbm>> -> memref<1x64xf32, #tpu.memory_space<hbm>>
      %dma_start3A_74 = arith.constant 0 : i32
      %dma_start3A_75 = tpu.memref_slice %arg11[%add3A_69, %dma_start3A_74] : memref<256x64xf32, #tpu.memory_space<vmem>> -> memref<1x64xf32, #tpu.memory_space<vmem>>
      %dma_start3A_76 = arith.constant 0 : i32
      %dma_start3A_77 = tpu.memref_slice %arg5[%squeeze3A_67, %dma_start3A_76] : memref<1000000x64xf32, #tpu.memory_space<hbm>> -> memref<1x64xf32, #tpu.memory_space<hbm>>
      tpu.enqueue_dma source(%dma_start3A_77 : memref<1x64xf32, #tpu.memory_space<hbm>>) target(%dma_start3A_75 : memref<1x64xf32, #tpu.memory_space<vmem>>) target_semaphore(%arg13 : memref<!tpu.dma_semaphore, #tpu.memory_space<semaphore_mem>>)
      %slice3A_78 = vector.extract_strided_slice %get3A_53 {offsets = [1], sizes = [1], strides = [1]} : vector<16xi32> to vector<1xi32>
      %squeeze3A_79 = vector.extract %slice3A_78[0] : i32 from vector<1xi32>
      %add3A_80 = arith.constant 1 : i32
      %add3A_81 = arith.addi %mul3A_51, %add3A_80 : i32
      %dma_start3A_82 = arith.constant 0 : i32
      %dma_start3A_83 = tpu.memref_slice %arg10[%add3A_81, %dma_start3A_82] : memref<256x64xf32, #tpu.memory_space<vmem>> -> memref<1x64xf32, #tpu.memory_space<vmem>>
      %dma_start3A_84 = arith.constant 0 : i32
      %dma_start3A_85 = tpu.memref_slice %arg4[%squeeze3A_79, %dma_start3A_84] : memref<1000000x64xf32, #tpu.memory_space<hbm>> -> memref<1x64xf32, #tpu.memory_space<hbm>>
      %dma_start3A_86 = arith.constant 0 : i32
      %dma_start3A_87 = tpu.memref_slice %arg10[%add3A_81, %dma_start3A_86] : memref<256x64xf32, #tpu.memory_space<vmem>> -> memref<1x64xf32, #tpu.memory_space<vmem>>
      %dma_start3A_88 = arith.constant 0 : i32
      %dma_start3A_89 = tpu.memref_slice %arg4[%squeeze3A_79, %dma_start3A_88] : memref<1000000x64xf32, #tpu.memory_space<hbm>> -> memref<1x64xf32, #tpu.memory_space<hbm>>
      tpu.enqueue_dma source(%dma_start3A_89 : memref<1x64xf32, #tpu.memory_space<hbm>>) target(%dma_start3A_87 : memref<1x64xf32, #tpu.memory_space<vmem>>) target_semaphore(%arg12 : memref<!tpu.dma_semaphore, #tpu.memory_space<semaphore_mem>>)
      %slice3A_90 = vector.extract_strided_slice %get3A_56 {offsets = [1], sizes = [1], strides = [1]} : vector<16xi32> to vector<1xi32>
      %squeeze3A_91 = vector.extract %slice3A_90[0] : i32 from vector<1xi32>
      %add3A_92 = arith.constant 1 : i32
      %add3A_93 = arith.addi %mul3A_51, %add3A_92 : i32
      %dma_start3A_94 = arith.constant 0 : i32
      %dma_start3A_95 = tpu.memref_slice %arg11[%add3A_93, %dma_start3A_94] : memref<256x64xf32, #tpu.memory_space<vmem>> -> memref<1x64xf32, #tpu.memory_space<vmem>>
      %dma_start3A_96 = arith.constant 0 : i32
      %dma_start3A_97 = tpu.memref_slice %arg5[%squeeze3A_91, %dma_start3A_96] : memref<1000000x64xf32, #tpu.memory_space<hbm>> -> memref<1x64xf32, #tpu.memory_space<hbm>>
      %dma_start3A_98 = arith.constant 0 : i32
      %dma_start3A_99 = tpu.memref_slice %arg11[%add3A_93, %dma_start3A_98] : memref<256x64xf32, #tpu.memory_space<vmem>> -> memref<1x64xf32, #tpu.memory_space<vmem>>
      %dma_start3A_100 = arith.constant 0 : i32
      %dma_start3A_101 = tpu.memref_slice %arg5[%squeeze3A_91, %dma_start3A_100] : memref<1000000x64xf32, #tpu.memory_space<hbm>> -> memref<1x64xf32, #tpu.memory_space<hbm>>
      tpu.enqueue_dma source(%dma_start3A_101 : memref<1x64xf32, #tpu.memory_space<hbm>>) target(%dma_start3A_99 : memref<1x64xf32, #tpu.memory_space<vmem>>) target_semaphore(%arg13 : memref<!tpu.dma_semaphore, #tpu.memory_space<semaphore_mem>>)
      %slice3A_102 = vector.extract_strided_slice %get3A_53 {offsets = [2], sizes = [1], strides = [1]} : vector<16xi32> to vector<1xi32>
      %squeeze3A_103 = vector.extract %slice3A_102[0] : i32 from vector<1xi32>
      %add3A_104 = arith.constant 2 : i32
      %add3A_105 = arith.addi %mul3A_51, %add3A_104 : i32
      %dma_start3A_106 = arith.constant 0 : i32
      %dma_start3A_107 = tpu.memref_slice %arg10[%add3A_105, %dma_start3A_106] : memref<256x64xf32, #tpu.memory_space<vmem>> -> memref<1x64xf32, #tpu.memory_space<vmem>>
      %dma_start3A_108 = arith.constant 0 : i32
      %dma_start3A_109 = tpu.memref_slice %arg4[%squeeze3A_103, %dma_start3A_108] : memref<1000000x64xf32, #tpu.memory_space<hbm>> -> memref<1x64xf32, #tpu.memory_space<hbm>>
      %dma_start3A_110 = arith.constant 0 : i32
      %dma_start3A_111 = tpu.memref_slice %arg10[%add3A_105, %dma_start3A_110] : memref<256x64xf32, #tpu.memory_space<vmem>> -> memref<1x64xf32, #tpu.memory_space<vmem>>
      %dma_start3A_112 = arith.constant 0 : i32
      %dma_start3A_113 = tpu.memref_slice %arg4[%squeeze3A_103, %dma_start3A_112] : memref<1000000x64xf32, #tpu.memory_space<hbm>> -> memref<1x64xf32, #tpu.memory_space<hbm>>
      tpu.enqueue_dma source(%dma_start3A_113 : memref<1x64xf32, #tpu.memory_space<hbm>>) target(%dma_start3A_111 : memref<1x64xf32, #tpu.memory_space<vmem>>) target_semaphore(%arg12 : memref<!tpu.dma_semaphore, #tpu.memory_space<semaphore_mem>>)
      %slice3A_114 = vector.extract_strided_slice %get3A_56 {offsets = [2], sizes = [1], strides = [1]} : vector<16xi32> to vector<1xi32>
      %squeeze3A_115 = vector.extract %slice3A_114[0] : i32 from vector<1xi32>
      %add3A_116 = arith.constant 2 : i32
      %add3A_117 = arith.addi %mul3A_51, %add3A_116 : i32
      %dma_start3A_118 = arith.constant 0 : i32
      %dma_start3A_119 = tpu.memref_slice %arg11[%add3A_117, %dma_start3A_118] : memref<256x64xf32, #tpu.memory_space<vmem>> -> memref<1x64xf32, #tpu.memory_space<vmem>>
      %dma_start3A_120 = arith.constant 0 : i32
      %dma_start3A_121 = tpu.memref_slice %arg5[%squeeze3A_115, %dma_start3A_120] : memref<1000000x64xf32, #tpu.memory_space<hbm>> -> memref<1x64xf32, #tpu.memory_space<hbm>>
      %dma_start3A_122 = arith.constant 0 : i32
      %dma_start3A_123 = tpu.memref_slice %arg11[%add3A_117, %dma_start3A_122] : memref<256x64xf32, #tpu.memory_space<vmem>> -> memref<1x64xf32, #tpu.memory_space<vmem>>
      %dma_start3A_124 = arith.constant 0 : i32
      %dma_start3A_125 = tpu.memref_slice %arg5[%squeeze3A_115, %dma_start3A_124] : memref<1000000x64xf32, #tpu.memory_space<hbm>> -> memref<1x64xf32, #tpu.memory_space<hbm>>
      tpu.enqueue_dma source(%dma_start3A_125 : memref<1x64xf32, #tpu.memory_space<hbm>>) target(%dma_start3A_123 : memref<1x64xf32, #tpu.memory_space<vmem>>) target_semaphore(%arg13 : memref<!tpu.dma_semaphore, #tpu.memory_space<semaphore_mem>>)
      %slice3A_126 = vector.extract_strided_slice %get3A_53 {offsets = [3], sizes = [1], strides = [1]} : vector<16xi32> to vector<1xi32>
      %squeeze3A_127 = vector.extract %slice3A_126[0] : i32 from vector<1xi32>
      %add3A_128 = arith.constant 3 : i32
      %add3A_129 = arith.addi %mul3A_51, %add3A_128 : i32
      %dma_start3A_130 = arith.constant 0 : i32
      %dma_start3A_131 = tpu.memref_slice %arg10[%add3A_129, %dma_start3A_130] : memref<256x64xf32, #tpu.memory_space<vmem>> -> memref<1x64xf32, #tpu.memory_space<vmem>>
      %dma_start3A_132 = arith.constant 0 : i32
      %dma_start3A_133 = tpu.memref_slice %arg4[%squeeze3A_127, %dma_start3A_132] : memref<1000000x64xf32, #tpu.memory_space<hbm>> -> memref<1x64xf32, #tpu.memory_space<hbm>>
      %dma_start3A_134 = arith.constant 0 : i32
      %dma_start3A_135 = tpu.memref_slice %arg10[%add3A_129, %dma_start3A_134] : memref<256x64xf32, #tpu.memory_space<vmem>> -> memref<1x64xf32, #tpu.memory_space<vmem>>
      %dma_start3A_136 = arith.constant 0 : i32
      %dma_start3A_137 = tpu.memref_slice %arg4[%squeeze3A_127, %dma_start3A_136] : memref<1000000x64xf32, #tpu.memory_space<hbm>> -> memref<1x64xf32, #tpu.memory_space<hbm>>
      tpu.enqueue_dma source(%dma_start3A_137 : memref<1x64xf32, #tpu.memory_space<hbm>>) target(%dma_start3A_135 : memref<1x64xf32, #tpu.memory_space<vmem>>) target_semaphore(%arg12 : memref<!tpu.dma_semaphore, #tpu.memory_space<semaphore_mem>>)
      %slice3A_138 = vector.extract_strided_slice %get3A_56 {offsets = [3], sizes = [1], strides = [1]} : vector<16xi32> to vector<1xi32>
      %squeeze3A_139 = vector.extract %slice3A_138[0] : i32 from vector<1xi32>
      %add3A_140 = arith.constant 3 : i32
      %add3A_141 = arith.addi %mul3A_51, %add3A_140 : i32
      %dma_start3A_142 = arith.constant 0 : i32
      %dma_start3A_143 = tpu.memref_slice %arg11[%add3A_141, %dma_start3A_142] : memref<256x64xf32, #tpu.memory_space<vmem>> -> memref<1x64xf32, #tpu.memory_space<vmem>>
      %dma_start3A_144 = arith.constant 0 : i32
      %dma_start3A_145 = tpu.memref_slice %arg5[%squeeze3A_139, %dma_start3A_144] : memref<1000000x64xf32, #tpu.memory_space<hbm>> -> memref<1x64xf32, #tpu.memory_space<hbm>>
      %dma_start3A_146 = arith.constant 0 : i32
      %dma_start3A_147 = tpu.memref_slice %arg11[%add3A_141, %dma_start3A_146] : memref<256x64xf32, #tpu.memory_space<vmem>> -> memref<1x64xf32, #tpu.memory_space<vmem>>
      %dma_start3A_148 = arith.constant 0 : i32
      %dma_start3A_149 = tpu.memref_slice %arg5[%squeeze3A_139, %dma_start3A_148] : memref<1000000x64xf32, #tpu.memory_space<hbm>> -> memref<1x64xf32, #tpu.memory_space<hbm>>
      tpu.enqueue_dma source(%dma_start3A_149 : memref<1x64xf32, #tpu.memory_space<hbm>>) target(%dma_start3A_147 : memref<1x64xf32, #tpu.memory_space<vmem>>) target_semaphore(%arg13 : memref<!tpu.dma_semaphore, #tpu.memory_space<semaphore_mem>>)
      %slice3A_150 = vector.extract_strided_slice %get3A_53 {offsets = [4], sizes = [1], strides = [1]} : vector<16xi32> to vector<1xi32>
      %squeeze3A_151 = vector.extract %slice3A_150[0] : i32 from vector<1xi32>
      %add3A_152 = arith.constant 4 : i32
      %add3A_153 = arith.addi %mul3A_51, %add3A_152 : i32
      %dma_start3A_154 = arith.constant 0 : i32
      %dma_start3A_155 = tpu.memref_slice %arg10[%add3A_153, %dma_start3A_154] : memref<256x64xf32, #tpu.memory_space<vmem>> -> memref<1x64xf32, #tpu.memory_space<vmem>>
      %dma_start3A_156 = arith.constant 0 : i32
      %dma_start3A_157 = tpu.memref_slice %arg4[%squeeze3A_151, %dma_start3A_156] : memref<1000000x64xf32, #tpu.memory_space<hbm>> -> memref<1x64xf32, #tpu.memory_space<hbm>>
      %dma_start3A_158 = arith.constant 0 : i32
      %dma_start3A_159 = tpu.memref_slice %arg10[%add3A_153, %dma_start3A_158] : memref<256x64xf32, #tpu.memory_space<vmem>> -> memref<1x64xf32, #tpu.memory_space<vmem>>
      %dma_start3A_160 = arith.constant 0 : i32
      %dma_start3A_161 = tpu.memref_slice %arg4[%squeeze3A_151, %dma_start3A_160] : memref<1000000x64xf32, #tpu.memory_space<hbm>> -> memref<1x64xf32, #tpu.memory_space<hbm>>
      tpu.enqueue_dma source(%dma_start3A_161 : memref<1x64xf32, #tpu.memory_space<hbm>>) target(%dma_start3A_159 : memref<1x64xf32, #tpu.memory_space<vmem>>) target_semaphore(%arg12 : memref<!tpu.dma_semaphore, #tpu.memory_space<semaphore_mem>>)
      %slice3A_162 = vector.extract_strided_slice %get3A_56 {offsets = [4], sizes = [1], strides = [1]} : vector<16xi32> to vector<1xi32>
      %squeeze3A_163 = vector.extract %slice3A_162[0] : i32 from vector<1xi32>
      %add3A_164 = arith.constant 4 : i32
      %add3A_165 = arith.addi %mul3A_51, %add3A_164 : i32
      %dma_start3A_166 = arith.constant 0 : i32
      %dma_start3A_167 = tpu.memref_slice %arg11[%add3A_165, %dma_start3A_166] : memref<256x64xf32, #tpu.memory_space<vmem>> -> memref<1x64xf32, #tpu.memory_space<vmem>>
      %dma_start3A_168 = arith.constant 0 : i32
      %dma_start3A_169 = tpu.memref_slice %arg5[%squeeze3A_163, %dma_start3A_168] : memref<1000000x64xf32, #tpu.memory_space<hbm>> -> memref<1x64xf32, #tpu.memory_space<hbm>>
      %dma_start3A_170 = arith.constant 0 : i32
      %dma_start3A_171 = tpu.memref_slice %arg11[%add3A_165, %dma_start3A_170] : memref<256x64xf32, #tpu.memory_space<vmem>> -> memref<1x64xf32, #tpu.memory_space<vmem>>
      %dma_start3A_172 = arith.constant 0 : i32
      %dma_start3A_173 = tpu.memref_slice %arg5[%squeeze3A_163, %dma_start3A_172] : memref<1000000x64xf32, #tpu.memory_space<hbm>> -> memref<1x64xf32, #tpu.memory_space<hbm>>
      tpu.enqueue_dma source(%dma_start3A_173 : memref<1x64xf32, #tpu.memory_space<hbm>>) target(%dma_start3A_171 : memref<1x64xf32, #tpu.memory_space<vmem>>) target_semaphore(%arg13 : memref<!tpu.dma_semaphore, #tpu.memory_space<semaphore_mem>>)
      %slice3A_174 = vector.extract_strided_slice %get3A_53 {offsets = [5], sizes = [1], strides = [1]} : vector<16xi32> to vector<1xi32>
      %squeeze3A_175 = vector.extract %slice3A_174[0] : i32 from vector<1xi32>
      %add3A_176 = arith.constant 5 : i32
      %add3A_177 = arith.addi %mul3A_51, %add3A_176 : i32
      %dma_start3A_178 = arith.constant 0 : i32
      %dma_start3A_179 = tpu.memref_slice %arg10[%add3A_177, %dma_start3A_178] : memref<256x64xf32, #tpu.memory_space<vmem>> -> memref<1x64xf32, #tpu.memory_space<vmem>>
      %dma_start3A_180 = arith.constant 0 : i32
      %dma_start3A_181 = tpu.memref_slice %arg4[%squeeze3A_175, %dma_start3A_180] : memref<1000000x64xf32, #tpu.memory_space<hbm>> -> memref<1x64xf32, #tpu.memory_space<hbm>>
      %dma_start3A_182 = arith.constant 0 : i32
      %dma_start3A_183 = tpu.memref_slice %arg10[%add3A_177, %dma_start3A_182] : memref<256x64xf32, #tpu.memory_space<vmem>> -> memref<1x64xf32, #tpu.memory_space<vmem>>
      %dma_start3A_184 = arith.constant 0 : i32
      %dma_start3A_185 = tpu.memref_slice %arg4[%squeeze3A_175, %dma_start3A_184] : memref<1000000x64xf32, #tpu.memory_space<hbm>> -> memref<1x64xf32, #tpu.memory_space<hbm>>
      tpu.enqueue_dma source(%dma_start3A_185 : memref<1x64xf32, #tpu.memory_space<hbm>>) target(%dma_start3A_183 : memref<1x64xf32, #tpu.memory_space<vmem>>) target_semaphore(%arg12 : memref<!tpu.dma_semaphore, #tpu.memory_space<semaphore_mem>>)
      %slice3A_186 = vector.extract_strided_slice %get3A_56 {offsets = [5], sizes = [1], strides = [1]} : vector<16xi32> to vector<1xi32>
      %squeeze3A_187 = vector.extract %slice3A_186[0] : i32 from vector<1xi32>
      %add3A_188 = arith.constant 5 : i32
      %add3A_189 = arith.addi %mul3A_51, %add3A_188 : i32
      %dma_start3A_190 = arith.constant 0 : i32
      %dma_start3A_191 = tpu.memref_slice %arg11[%add3A_189, %dma_start3A_190] : memref<256x64xf32, #tpu.memory_space<vmem>> -> memref<1x64xf32, #tpu.memory_space<vmem>>
      %dma_start3A_192 = arith.constant 0 : i32
      %dma_start3A_193 = tpu.memref_slice %arg5[%squeeze3A_187, %dma_start3A_192] : memref<1000000x64xf32, #tpu.memory_space<hbm>> -> memref<1x64xf32, #tpu.memory_space<hbm>>
      %dma_start3A_194 = arith.constant 0 : i32
      %dma_start3A_195 = tpu.memref_slice %arg11[%add3A_189, %dma_start3A_194] : memref<256x64xf32, #tpu.memory_space<vmem>> -> memref<1x64xf32, #tpu.memory_space<vmem>>
      %dma_start3A_196 = arith.constant 0 : i32
      %dma_start3A_197 = tpu.memref_slice %arg5[%squeeze3A_187, %dma_start3A_196] : memref<1000000x64xf32, #tpu.memory_space<hbm>> -> memref<1x64xf32, #tpu.memory_space<hbm>>
      tpu.enqueue_dma source(%dma_start3A_197 : memref<1x64xf32, #tpu.memory_space<hbm>>) target(%dma_start3A_195 : memref<1x64xf32, #tpu.memory_space<vmem>>) target_semaphore(%arg13 : memref<!tpu.dma_semaphore, #tpu.memory_space<semaphore_mem>>)
      %slice3A_198 = vector.extract_strided_slice %get3A_53 {offsets = [6], sizes = [1], strides = [1]} : vector<16xi32> to vector<1xi32>
      %squeeze3A_199 = vector.extract %slice3A_198[0] : i32 from vector<1xi32>
      %add3A_200 = arith.constant 6 : i32
      %add3A_201 = arith.addi %mul3A_51, %add3A_200 : i32
      %dma_start3A_202 = arith.constant 0 : i32
      %dma_start3A_203 = tpu.memref_slice %arg10[%add3A_201, %dma_start3A_202] : memref<256x64xf32, #tpu.memory_space<vmem>> -> memref<1x64xf32, #tpu.memory_space<vmem>>
      %dma_start3A_204 = arith.constant 0 : i32
      %dma_start3A_205 = tpu.memref_slice %arg4[%squeeze3A_199, %dma_start3A_204] : memref<1000000x64xf32, #tpu.memory_space<hbm>> -> memref<1x64xf32, #tpu.memory_space<hbm>>
      %dma_start3A_206 = arith.constant 0 : i32
      %dma_start3A_207 = tpu.memref_slice %arg10[%add3A_201, %dma_start3A_206] : memref<256x64xf32, #tpu.memory_space<vmem>> -> memref<1x64xf32, #tpu.memory_space<vmem>>
      %dma_start3A_208 = arith.constant 0 : i32
      %dma_start3A_209 = tpu.memref_slice %arg4[%squeeze3A_199, %dma_start3A_208] : memref<1000000x64xf32, #tpu.memory_space<hbm>> -> memref<1x64xf32, #tpu.memory_space<hbm>>
      tpu.enqueue_dma source(%dma_start3A_209 : memref<1x64xf32, #tpu.memory_space<hbm>>) target(%dma_start3A_207 : memref<1x64xf32, #tpu.memory_space<vmem>>) target_semaphore(%arg12 : memref<!tpu.dma_semaphore, #tpu.memory_space<semaphore_mem>>)
      %slice3A_210 = vector.extract_strided_slice %get3A_56 {offsets = [6], sizes = [1], strides = [1]} : vector<16xi32> to vector<1xi32>
      %squeeze3A_211 = vector.extract %slice3A_210[0] : i32 from vector<1xi32>
      %add3A_212 = arith.constant 6 : i32
      %add3A_213 = arith.addi %mul3A_51, %add3A_212 : i32
      %dma_start3A_214 = arith.constant 0 : i32
      %dma_start3A_215 = tpu.memref_slice %arg11[%add3A_213, %dma_start3A_214] : memref<256x64xf32, #tpu.memory_space<vmem>> -> memref<1x64xf32, #tpu.memory_space<vmem>>
      %dma_start3A_216 = arith.constant 0 : i32
      %dma_start3A_217 = tpu.memref_slice %arg5[%squeeze3A_211, %dma_start3A_216] : memref<1000000x64xf32, #tpu.memory_space<hbm>> -> memref<1x64xf32, #tpu.memory_space<hbm>>
      %dma_start3A_218 = arith.constant 0 : i32
      %dma_start3A_219 = tpu.memref_slice %arg11[%add3A_213, %dma_start3A_218] : memref<256x64xf32, #tpu.memory_space<vmem>> -> memref<1x64xf32, #tpu.memory_space<vmem>>
      %dma_start3A_220 = arith.constant 0 : i32
      %dma_start3A_221 = tpu.memref_slice %arg5[%squeeze3A_211, %dma_start3A_220] : memref<1000000x64xf32, #tpu.memory_space<hbm>> -> memref<1x64xf32, #tpu.memory_space<hbm>>
      tpu.enqueue_dma source(%dma_start3A_221 : memref<1x64xf32, #tpu.memory_space<hbm>>) target(%dma_start3A_219 : memref<1x64xf32, #tpu.memory_space<vmem>>) target_semaphore(%arg13 : memref<!tpu.dma_semaphore, #tpu.memory_space<semaphore_mem>>)
      %slice3A_222 = vector.extract_strided_slice %get3A_53 {offsets = [7], sizes = [1], strides = [1]} : vector<16xi32> to vector<1xi32>
      %squeeze3A_223 = vector.extract %slice3A_222[0] : i32 from vector<1xi32>
      %add3A_224 = arith.constant 7 : i32
      %add3A_225 = arith.addi %mul3A_51, %add3A_224 : i32
      %dma_start3A_226 = arith.constant 0 : i32
      %dma_start3A_227 = tpu.memref_slice %arg10[%add3A_225, %dma_start3A_226] : memref<256x64xf32, #tpu.memory_space<vmem>> -> memref<1x64xf32, #tpu.memory_space<vmem>>
      %dma_start3A_228 = arith.constant 0 : i32
      %dma_start3A_229 = tpu.memref_slice %arg4[%squeeze3A_223, %dma_start3A_228] : memref<1000000x64xf32, #tpu.memory_space<hbm>> -> memref<1x64xf32, #tpu.memory_space<hbm>>
      %dma_start3A_230 = arith.constant 0 : i32
      %dma_start3A_231 = tpu.memref_slice %arg10[%add3A_225, %dma_start3A_230] : memref<256x64xf32, #tpu.memory_space<vmem>> -> memref<1x64xf32, #tpu.memory_space<vmem>>
      %dma_start3A_232 = arith.constant 0 : i32
      %dma_start3A_233 = tpu.memref_slice %arg4[%squeeze3A_223, %dma_start3A_232] : memref<1000000x64xf32, #tpu.memory_space<hbm>> -> memref<1x64xf32, #tpu.memory_space<hbm>>
      tpu.enqueue_dma source(%dma_start3A_233 : memref<1x64xf32, #tpu.memory_space<hbm>>) target(%dma_start3A_231 : memref<1x64xf32, #tpu.memory_space<vmem>>) target_semaphore(%arg12 : memref<!tpu.dma_semaphore, #tpu.memory_space<semaphore_mem>>)
      %slice3A_234 = vector.extract_strided_slice %get3A_56 {offsets = [7], sizes = [1], strides = [1]} : vector<16xi32> to vector<1xi32>
      %squeeze3A_235 = vector.extract %slice3A_234[0] : i32 from vector<1xi32>
      %add3A_236 = arith.constant 7 : i32
      %add3A_237 = arith.addi %mul3A_51, %add3A_236 : i32
      %dma_start3A_238 = arith.constant 0 : i32
      %dma_start3A_239 = tpu.memref_slice %arg11[%add3A_237, %dma_start3A_238] : memref<256x64xf32, #tpu.memory_space<vmem>> -> memref<1x64xf32, #tpu.memory_space<vmem>>
      %dma_start3A_240 = arith.constant 0 : i32
      %dma_start3A_241 = tpu.memref_slice %arg5[%squeeze3A_235, %dma_start3A_240] : memref<1000000x64xf32, #tpu.memory_space<hbm>> -> memref<1x64xf32, #tpu.memory_space<hbm>>
      %dma_start3A_242 = arith.constant 0 : i32
      %dma_start3A_243 = tpu.memref_slice %arg11[%add3A_237, %dma_start3A_242] : memref<256x64xf32, #tpu.memory_space<vmem>> -> memref<1x64xf32, #tpu.memory_space<vmem>>
      %dma_start3A_244 = arith.constant 0 : i32
      %dma_start3A_245 = tpu.memref_slice %arg5[%squeeze3A_235, %dma_start3A_244] : memref<1000000x64xf32, #tpu.memory_space<hbm>> -> memref<1x64xf32, #tpu.memory_space<hbm>>
      tpu.enqueue_dma source(%dma_start3A_245 : memref<1x64xf32, #tpu.memory_space<hbm>>) target(%dma_start3A_243 : memref<1x64xf32, #tpu.memory_space<vmem>>) target_semaphore(%arg13 : memref<!tpu.dma_semaphore, #tpu.memory_space<semaphore_mem>>)
      %slice3A_246 = vector.extract_strided_slice %get3A_53 {offsets = [8], sizes = [1], strides = [1]} : vector<16xi32> to vector<1xi32>
      %squeeze3A_247 = vector.extract %slice3A_246[0] : i32 from vector<1xi32>
      %add3A_248 = arith.constant 8 : i32
      %add3A_249 = arith.addi %mul3A_51, %add3A_248 : i32
      %dma_start3A_250 = arith.constant 0 : i32
      %dma_start3A_251 = tpu.memref_slice %arg10[%add3A_249, %dma_start3A_250] : memref<256x64xf32, #tpu.memory_space<vmem>> -> memref<1x64xf32, #tpu.memory_space<vmem>>
      %dma_start3A_252 = arith.constant 0 : i32
      %dma_start3A_253 = tpu.memref_slice %arg4[%squeeze3A_247, %dma_start3A_252] : memref<1000000x64xf32, #tpu.memory_space<hbm>> -> memref<1x64xf32, #tpu.memory_space<hbm>>
      %dma_start3A_254 = arith.constant 0 : i32
      %dma_start3A_255 = tpu.memref_slice %arg10[%add3A_249, %dma_start3A_254] : memref<256x64xf32, #tpu.memory_space<vmem>> -> memref<1x64xf32, #tpu.memory_space<vmem>>
      %dma_start3A_256 = arith.constant 0 : i32
      %dma_start3A_257 = tpu.memref_slice %arg4[%squeeze3A_247, %dma_start3A_256] : memref<1000000x64xf32, #tpu.memory_space<hbm>> -> memref<1x64xf32, #tpu.memory_space<hbm>>
      tpu.enqueue_dma source(%dma_start3A_257 : memref<1x64xf32, #tpu.memory_space<hbm>>) target(%dma_start3A_255 : memref<1x64xf32, #tpu.memory_space<vmem>>) target_semaphore(%arg12 : memref<!tpu.dma_semaphore, #tpu.memory_space<semaphore_mem>>)
      %slice3A_258 = vector.extract_strided_slice %get3A_56 {offsets = [8], sizes = [1], strides = [1]} : vector<16xi32> to vector<1xi32>
      %squeeze3A_259 = vector.extract %slice3A_258[0] : i32 from vector<1xi32>
      %add3A_260 = arith.constant 8 : i32
      %add3A_261 = arith.addi %mul3A_51, %add3A_260 : i32
      %dma_start3A_262 = arith.constant 0 : i32
      %dma_start3A_263 = tpu.memref_slice %arg11[%add3A_261, %dma_start3A_262] : memref<256x64xf32, #tpu.memory_space<vmem>> -> memref<1x64xf32, #tpu.memory_space<vmem>>
      %dma_start3A_264 = arith.constant 0 : i32
      %dma_start3A_265 = tpu.memref_slice %arg5[%squeeze3A_259, %dma_start3A_264] : memref<1000000x64xf32, #tpu.memory_space<hbm>> -> memref<1x64xf32, #tpu.memory_space<hbm>>
      %dma_start3A_266 = arith.constant 0 : i32
      %dma_start3A_267 = tpu.memref_slice %arg11[%add3A_261, %dma_start3A_266] : memref<256x64xf32, #tpu.memory_space<vmem>> -> memref<1x64xf32, #tpu.memory_space<vmem>>
      %dma_start3A_268 = arith.constant 0 : i32
      %dma_start3A_269 = tpu.memref_slice %arg5[%squeeze3A_259, %dma_start3A_268] : memref<1000000x64xf32, #tpu.memory_space<hbm>> -> memref<1x64xf32, #tpu.memory_space<hbm>>
      tpu.enqueue_dma source(%dma_start3A_269 : memref<1x64xf32, #tpu.memory_space<hbm>>) target(%dma_start3A_267 : memref<1x64xf32, #tpu.memory_space<vmem>>) target_semaphore(%arg13 : memref<!tpu.dma_semaphore, #tpu.memory_space<semaphore_mem>>)
      %slice3A_270 = vector.extract_strided_slice %get3A_53 {offsets = [9], sizes = [1], strides = [1]} : vector<16xi32> to vector<1xi32>
      %squeeze3A_271 = vector.extract %slice3A_270[0] : i32 from vector<1xi32>
      %add3A_272 = arith.constant 9 : i32
      %add3A_273 = arith.addi %mul3A_51, %add3A_272 : i32
      %dma_start3A_274 = arith.constant 0 : i32
      %dma_start3A_275 = tpu.memref_slice %arg10[%add3A_273, %dma_start3A_274] : memref<256x64xf32, #tpu.memory_space<vmem>> -> memref<1x64xf32, #tpu.memory_space<vmem>>
      %dma_start3A_276 = arith.constant 0 : i32
      %dma_start3A_277 = tpu.memref_slice %arg4[%squeeze3A_271, %dma_start3A_276] : memref<1000000x64xf32, #tpu.memory_space<hbm>> -> memref<1x64xf32, #tpu.memory_space<hbm>>
      %dma_start3A_278 = arith.constant 0 : i32
      %dma_start3A_279 = tpu.memref_slice %arg10[%add3A_273, %dma_start3A_278] : memref<256x64xf32, #tpu.memory_space<vmem>> -> memref<1x64xf32, #tpu.memory_space<vmem>>
      %dma_start3A_280 = arith.constant 0 : i32
      %dma_start3A_281 = tpu.memref_slice %arg4[%squeeze3A_271, %dma_start3A_280] : memref<1000000x64xf32, #tpu.memory_space<hbm>> -> memref<1x64xf32, #tpu.memory_space<hbm>>
      tpu.enqueue_dma source(%dma_start3A_281 : memref<1x64xf32, #tpu.memory_space<hbm>>) target(%dma_start3A_279 : memref<1x64xf32, #tpu.memory_space<vmem>>) target_semaphore(%arg12 : memref<!tpu.dma_semaphore, #tpu.memory_space<semaphore_mem>>)
      %slice3A_282 = vector.extract_strided_slice %get3A_56 {offsets = [9], sizes = [1], strides = [1]} : vector<16xi32> to vector<1xi32>
      %squeeze3A_283 = vector.extract %slice3A_282[0] : i32 from vector<1xi32>
      %add3A_284 = arith.constant 9 : i32
      %add3A_285 = arith.addi %mul3A_51, %add3A_284 : i32
      %dma_start3A_286 = arith.constant 0 : i32
      %dma_start3A_287 = tpu.memref_slice %arg11[%add3A_285, %dma_start3A_286] : memref<256x64xf32, #tpu.memory_space<vmem>> -> memref<1x64xf32, #tpu.memory_space<vmem>>
      %dma_start3A_288 = arith.constant 0 : i32
      %dma_start3A_289 = tpu.memref_slice %arg5[%squeeze3A_283, %dma_start3A_288] : memref<1000000x64xf32, #tpu.memory_space<hbm>> -> memref<1x64xf32, #tpu.memory_space<hbm>>
      %dma_start3A_290 = arith.constant 0 : i32
      %dma_start3A_291 = tpu.memref_slice %arg11[%add3A_285, %dma_start3A_290] : memref<256x64xf32, #tpu.memory_space<vmem>> -> memref<1x64xf32, #tpu.memory_space<vmem>>
      %dma_start3A_292 = arith.constant 0 : i32
      %dma_start3A_293 = tpu.memref_slice %arg5[%squeeze3A_283, %dma_start3A_292] : memref<1000000x64xf32, #tpu.memory_space<hbm>> -> memref<1x64xf32, #tpu.memory_space<hbm>>
      tpu.enqueue_dma source(%dma_start3A_293 : memref<1x64xf32, #tpu.memory_space<hbm>>) target(%dma_start3A_291 : memref<1x64xf32, #tpu.memory_space<vmem>>) target_semaphore(%arg13 : memref<!tpu.dma_semaphore, #tpu.memory_space<semaphore_mem>>)
      %slice3A_294 = vector.extract_strided_slice %get3A_53 {offsets = [10], sizes = [1], strides = [1]} : vector<16xi32> to vector<1xi32>
      %squeeze3A_295 = vector.extract %slice3A_294[0] : i32 from vector<1xi32>
      %add3A_296 = arith.constant 10 : i32
      %add3A_297 = arith.addi %mul3A_51, %add3A_296 : i32
      %dma_start3A_298 = arith.constant 0 : i32
      %dma_start3A_299 = tpu.memref_slice %arg10[%add3A_297, %dma_start3A_298] : memref<256x64xf32, #tpu.memory_space<vmem>> -> memref<1x64xf32, #tpu.memory_space<vmem>>
      %dma_start3A_300 = arith.constant 0 : i32
      %dma_start3A_301 = tpu.memref_slice %arg4[%squeeze3A_295, %dma_start3A_300] : memref<1000000x64xf32, #tpu.memory_space<hbm>> -> memref<1x64xf32, #tpu.memory_space<hbm>>
      %dma_start3A_302 = arith.constant 0 : i32
      %dma_start3A_303 = tpu.memref_slice %arg10[%add3A_297, %dma_start3A_302] : memref<256x64xf32, #tpu.memory_space<vmem>> -> memref<1x64xf32, #tpu.memory_space<vmem>>
      %dma_start3A_304 = arith.constant 0 : i32
      %dma_start3A_305 = tpu.memref_slice %arg4[%squeeze3A_295, %dma_start3A_304] : memref<1000000x64xf32, #tpu.memory_space<hbm>> -> memref<1x64xf32, #tpu.memory_space<hbm>>
      tpu.enqueue_dma source(%dma_start3A_305 : memref<1x64xf32, #tpu.memory_space<hbm>>) target(%dma_start3A_303 : memref<1x64xf32, #tpu.memory_space<vmem>>) target_semaphore(%arg12 : memref<!tpu.dma_semaphore, #tpu.memory_space<semaphore_mem>>)
      %slice3A_306 = vector.extract_strided_slice %get3A_56 {offsets = [10], sizes = [1], strides = [1]} : vector<16xi32> to vector<1xi32>
      %squeeze3A_307 = vector.extract %slice3A_306[0] : i32 from vector<1xi32>
      %add3A_308 = arith.constant 10 : i32
      %add3A_309 = arith.addi %mul3A_51, %add3A_308 : i32
      %dma_start3A_310 = arith.constant 0 : i32
      %dma_start3A_311 = tpu.memref_slice %arg11[%add3A_309, %dma_start3A_310] : memref<256x64xf32, #tpu.memory_space<vmem>> -> memref<1x64xf32, #tpu.memory_space<vmem>>
      %dma_start3A_312 = arith.constant 0 : i32
      %dma_start3A_313 = tpu.memref_slice %arg5[%squeeze3A_307, %dma_start3A_312] : memref<1000000x64xf32, #tpu.memory_space<hbm>> -> memref<1x64xf32, #tpu.memory_space<hbm>>
      %dma_start3A_314 = arith.constant 0 : i32
      %dma_start3A_315 = tpu.memref_slice %arg11[%add3A_309, %dma_start3A_314] : memref<256x64xf32, #tpu.memory_space<vmem>> -> memref<1x64xf32, #tpu.memory_space<vmem>>
      %dma_start3A_316 = arith.constant 0 : i32
      %dma_start3A_317 = tpu.memref_slice %arg5[%squeeze3A_307, %dma_start3A_316] : memref<1000000x64xf32, #tpu.memory_space<hbm>> -> memref<1x64xf32, #tpu.memory_space<hbm>>
      tpu.enqueue_dma source(%dma_start3A_317 : memref<1x64xf32, #tpu.memory_space<hbm>>) target(%dma_start3A_315 : memref<1x64xf32, #tpu.memory_space<vmem>>) target_semaphore(%arg13 : memref<!tpu.dma_semaphore, #tpu.memory_space<semaphore_mem>>)
      %slice3A_318 = vector.extract_strided_slice %get3A_53 {offsets = [11], sizes = [1], strides = [1]} : vector<16xi32> to vector<1xi32>
      %squeeze3A_319 = vector.extract %slice3A_318[0] : i32 from vector<1xi32>
      %add3A_320 = arith.constant 11 : i32
      %add3A_321 = arith.addi %mul3A_51, %add3A_320 : i32
      %dma_start3A_322 = arith.constant 0 : i32
      %dma_start3A_323 = tpu.memref_slice %arg10[%add3A_321, %dma_start3A_322] : memref<256x64xf32, #tpu.memory_space<vmem>> -> memref<1x64xf32, #tpu.memory_space<vmem>>
      %dma_start3A_324 = arith.constant 0 : i32
      %dma_start3A_325 = tpu.memref_slice %arg4[%squeeze3A_319, %dma_start3A_324] : memref<1000000x64xf32, #tpu.memory_space<hbm>> -> memref<1x64xf32, #tpu.memory_space<hbm>>
      %dma_start3A_326 = arith.constant 0 : i32
      %dma_start3A_327 = tpu.memref_slice %arg10[%add3A_321, %dma_start3A_326] : memref<256x64xf32, #tpu.memory_space<vmem>> -> memref<1x64xf32, #tpu.memory_space<vmem>>
      %dma_start3A_328 = arith.constant 0 : i32
      %dma_start3A_329 = tpu.memref_slice %arg4[%squeeze3A_319, %dma_start3A_328] : memref<1000000x64xf32, #tpu.memory_space<hbm>> -> memref<1x64xf32, #tpu.memory_space<hbm>>
      tpu.enqueue_dma source(%dma_start3A_329 : memref<1x64xf32, #tpu.memory_space<hbm>>) target(%dma_start3A_327 : memref<1x64xf32, #tpu.memory_space<vmem>>) target_semaphore(%arg12 : memref<!tpu.dma_semaphore, #tpu.memory_space<semaphore_mem>>)
      %slice3A_330 = vector.extract_strided_slice %get3A_56 {offsets = [11], sizes = [1], strides = [1]} : vector<16xi32> to vector<1xi32>
      %squeeze3A_331 = vector.extract %slice3A_330[0] : i32 from vector<1xi32>
      %add3A_332 = arith.constant 11 : i32
      %add3A_333 = arith.addi %mul3A_51, %add3A_332 : i32
      %dma_start3A_334 = arith.constant 0 : i32
      %dma_start3A_335 = tpu.memref_slice %arg11[%add3A_333, %dma_start3A_334] : memref<256x64xf32, #tpu.memory_space<vmem>> -> memref<1x64xf32, #tpu.memory_space<vmem>>
      %dma_start3A_336 = arith.constant 0 : i32
      %dma_start3A_337 = tpu.memref_slice %arg5[%squeeze3A_331, %dma_start3A_336] : memref<1000000x64xf32, #tpu.memory_space<hbm>> -> memref<1x64xf32, #tpu.memory_space<hbm>>
      %dma_start3A_338 = arith.constant 0 : i32
      %dma_start3A_339 = tpu.memref_slice %arg11[%add3A_333, %dma_start3A_338] : memref<256x64xf32, #tpu.memory_space<vmem>> -> memref<1x64xf32, #tpu.memory_space<vmem>>
      %dma_start3A_340 = arith.constant 0 : i32
      %dma_start3A_341 = tpu.memref_slice %arg5[%squeeze3A_331, %dma_start3A_340] : memref<1000000x64xf32, #tpu.memory_space<hbm>> -> memref<1x64xf32, #tpu.memory_space<hbm>>
      tpu.enqueue_dma source(%dma_start3A_341 : memref<1x64xf32, #tpu.memory_space<hbm>>) target(%dma_start3A_339 : memref<1x64xf32, #tpu.memory_space<vmem>>) target_semaphore(%arg13 : memref<!tpu.dma_semaphore, #tpu.memory_space<semaphore_mem>>)
      %slice3A_342 = vector.extract_strided_slice %get3A_53 {offsets = [12], sizes = [1], strides = [1]} : vector<16xi32> to vector<1xi32>
      %squeeze3A_343 = vector.extract %slice3A_342[0] : i32 from vector<1xi32>
      %add3A_344 = arith.constant 12 : i32
      %add3A_345 = arith.addi %mul3A_51, %add3A_344 : i32
      %dma_start3A_346 = arith.constant 0 : i32
      %dma_start3A_347 = tpu.memref_slice %arg10[%add3A_345, %dma_start3A_346] : memref<256x64xf32, #tpu.memory_space<vmem>> -> memref<1x64xf32, #tpu.memory_space<vmem>>
      %dma_start3A_348 = arith.constant 0 : i32
      %dma_start3A_349 = tpu.memref_slice %arg4[%squeeze3A_343, %dma_start3A_348] : memref<1000000x64xf32, #tpu.memory_space<hbm>> -> memref<1x64xf32, #tpu.memory_space<hbm>>
      %dma_start3A_350 = arith.constant 0 : i32
      %dma_start3A_351 = tpu.memref_slice %arg10[%add3A_345, %dma_start3A_350] : memref<256x64xf32, #tpu.memory_space<vmem>> -> memref<1x64xf32, #tpu.memory_space<vmem>>
      %dma_start3A_352 = arith.constant 0 : i32
      %dma_start3A_353 = tpu.memref_slice %arg4[%squeeze3A_343, %dma_start3A_352] : memref<1000000x64xf32, #tpu.memory_space<hbm>> -> memref<1x64xf32, #tpu.memory_space<hbm>>
      tpu.enqueue_dma source(%dma_start3A_353 : memref<1x64xf32, #tpu.memory_space<hbm>>) target(%dma_start3A_351 : memref<1x64xf32, #tpu.memory_space<vmem>>) target_semaphore(%arg12 : memref<!tpu.dma_semaphore, #tpu.memory_space<semaphore_mem>>)
      %slice3A_354 = vector.extract_strided_slice %get3A_56 {offsets = [12], sizes = [1], strides = [1]} : vector<16xi32> to vector<1xi32>
      %squeeze3A_355 = vector.extract %slice3A_354[0] : i32 from vector<1xi32>
      %add3A_356 = arith.constant 12 : i32
      %add3A_357 = arith.addi %mul3A_51, %add3A_356 : i32
      %dma_start3A_358 = arith.constant 0 : i32
      %dma_start3A_359 = tpu.memref_slice %arg11[%add3A_357, %dma_start3A_358] : memref<256x64xf32, #tpu.memory_space<vmem>> -> memref<1x64xf32, #tpu.memory_space<vmem>>
      %dma_start3A_360 = arith.constant 0 : i32
      %dma_start3A_361 = tpu.memref_slice %arg5[%squeeze3A_355, %dma_start3A_360] : memref<1000000x64xf32, #tpu.memory_space<hbm>> -> memref<1x64xf32, #tpu.memory_space<hbm>>
      %dma_start3A_362 = arith.constant 0 : i32
      %dma_start3A_363 = tpu.memref_slice %arg11[%add3A_357, %dma_start3A_362] : memref<256x64xf32, #tpu.memory_space<vmem>> -> memref<1x64xf32, #tpu.memory_space<vmem>>
      %dma_start3A_364 = arith.constant 0 : i32
      %dma_start3A_365 = tpu.memref_slice %arg5[%squeeze3A_355, %dma_start3A_364] : memref<1000000x64xf32, #tpu.memory_space<hbm>> -> memref<1x64xf32, #tpu.memory_space<hbm>>
      tpu.enqueue_dma source(%dma_start3A_365 : memref<1x64xf32, #tpu.memory_space<hbm>>) target(%dma_start3A_363 : memref<1x64xf32, #tpu.memory_space<vmem>>) target_semaphore(%arg13 : memref<!tpu.dma_semaphore, #tpu.memory_space<semaphore_mem>>)
      %slice3A_366 = vector.extract_strided_slice %get3A_53 {offsets = [13], sizes = [1], strides = [1]} : vector<16xi32> to vector<1xi32>
      %squeeze3A_367 = vector.extract %slice3A_366[0] : i32 from vector<1xi32>
      %add3A_368 = arith.constant 13 : i32
      %add3A_369 = arith.addi %mul3A_51, %add3A_368 : i32
      %dma_start3A_370 = arith.constant 0 : i32
      %dma_start3A_371 = tpu.memref_slice %arg10[%add3A_369, %dma_start3A_370] : memref<256x64xf32, #tpu.memory_space<vmem>> -> memref<1x64xf32, #tpu.memory_space<vmem>>
      %dma_start3A_372 = arith.constant 0 : i32
      %dma_start3A_373 = tpu.memref_slice %arg4[%squeeze3A_367, %dma_start3A_372] : memref<1000000x64xf32, #tpu.memory_space<hbm>> -> memref<1x64xf32, #tpu.memory_space<hbm>>
      %dma_start3A_374 = arith.constant 0 : i32
      %dma_start3A_375 = tpu.memref_slice %arg10[%add3A_369, %dma_start3A_374] : memref<256x64xf32, #tpu.memory_space<vmem>> -> memref<1x64xf32, #tpu.memory_space<vmem>>
      %dma_start3A_376 = arith.constant 0 : i32
      %dma_start3A_377 = tpu.memref_slice %arg4[%squeeze3A_367, %dma_start3A_376] : memref<1000000x64xf32, #tpu.memory_space<hbm>> -> memref<1x64xf32, #tpu.memory_space<hbm>>
      tpu.enqueue_dma source(%dma_start3A_377 : memref<1x64xf32, #tpu.memory_space<hbm>>) target(%dma_start3A_375 : memref<1x64xf32, #tpu.memory_space<vmem>>) target_semaphore(%arg12 : memref<!tpu.dma_semaphore, #tpu.memory_space<semaphore_mem>>)
      %slice3A_378 = vector.extract_strided_slice %get3A_56 {offsets = [13], sizes = [1], strides = [1]} : vector<16xi32> to vector<1xi32>
      %squeeze3A_379 = vector.extract %slice3A_378[0] : i32 from vector<1xi32>
      %add3A_380 = arith.constant 13 : i32
      %add3A_381 = arith.addi %mul3A_51, %add3A_380 : i32
      %dma_start3A_382 = arith.constant 0 : i32
      %dma_start3A_383 = tpu.memref_slice %arg11[%add3A_381, %dma_start3A_382] : memref<256x64xf32, #tpu.memory_space<vmem>> -> memref<1x64xf32, #tpu.memory_space<vmem>>
      %dma_start3A_384 = arith.constant 0 : i32
      %dma_start3A_385 = tpu.memref_slice %arg5[%squeeze3A_379, %dma_start3A_384] : memref<1000000x64xf32, #tpu.memory_space<hbm>> -> memref<1x64xf32, #tpu.memory_space<hbm>>
      %dma_start3A_386 = arith.constant 0 : i32
      %dma_start3A_387 = tpu.memref_slice %arg11[%add3A_381, %dma_start3A_386] : memref<256x64xf32, #tpu.memory_space<vmem>> -> memref<1x64xf32, #tpu.memory_space<vmem>>
      %dma_start3A_388 = arith.constant 0 : i32
      %dma_start3A_389 = tpu.memref_slice %arg5[%squeeze3A_379, %dma_start3A_388] : memref<1000000x64xf32, #tpu.memory_space<hbm>> -> memref<1x64xf32, #tpu.memory_space<hbm>>
      tpu.enqueue_dma source(%dma_start3A_389 : memref<1x64xf32, #tpu.memory_space<hbm>>) target(%dma_start3A_387 : memref<1x64xf32, #tpu.memory_space<vmem>>) target_semaphore(%arg13 : memref<!tpu.dma_semaphore, #tpu.memory_space<semaphore_mem>>)
      %slice3A_390 = vector.extract_strided_slice %get3A_53 {offsets = [14], sizes = [1], strides = [1]} : vector<16xi32> to vector<1xi32>
      %squeeze3A_391 = vector.extract %slice3A_390[0] : i32 from vector<1xi32>
      %add3A_392 = arith.constant 14 : i32
      %add3A_393 = arith.addi %mul3A_51, %add3A_392 : i32
      %dma_start3A_394 = arith.constant 0 : i32
      %dma_start3A_395 = tpu.memref_slice %arg10[%add3A_393, %dma_start3A_394] : memref<256x64xf32, #tpu.memory_space<vmem>> -> memref<1x64xf32, #tpu.memory_space<vmem>>
      %dma_start3A_396 = arith.constant 0 : i32
      %dma_start3A_397 = tpu.memref_slice %arg4[%squeeze3A_391, %dma_start3A_396] : memref<1000000x64xf32, #tpu.memory_space<hbm>> -> memref<1x64xf32, #tpu.memory_space<hbm>>
      %dma_start3A_398 = arith.constant 0 : i32
      %dma_start3A_399 = tpu.memref_slice %arg10[%add3A_393, %dma_start3A_398] : memref<256x64xf32, #tpu.memory_space<vmem>> -> memref<1x64xf32, #tpu.memory_space<vmem>>
      %dma_start3A_400 = arith.constant 0 : i32
      %dma_start3A_401 = tpu.memref_slice %arg4[%squeeze3A_391, %dma_start3A_400] : memref<1000000x64xf32, #tpu.memory_space<hbm>> -> memref<1x64xf32, #tpu.memory_space<hbm>>
      tpu.enqueue_dma source(%dma_start3A_401 : memref<1x64xf32, #tpu.memory_space<hbm>>) target(%dma_start3A_399 : memref<1x64xf32, #tpu.memory_space<vmem>>) target_semaphore(%arg12 : memref<!tpu.dma_semaphore, #tpu.memory_space<semaphore_mem>>)
      %slice3A_402 = vector.extract_strided_slice %get3A_56 {offsets = [14], sizes = [1], strides = [1]} : vector<16xi32> to vector<1xi32>
      %squeeze3A_403 = vector.extract %slice3A_402[0] : i32 from vector<1xi32>
      %add3A_404 = arith.constant 14 : i32
      %add3A_405 = arith.addi %mul3A_51, %add3A_404 : i32
      %dma_start3A_406 = arith.constant 0 : i32
      %dma_start3A_407 = tpu.memref_slice %arg11[%add3A_405, %dma_start3A_406] : memref<256x64xf32, #tpu.memory_space<vmem>> -> memref<1x64xf32, #tpu.memory_space<vmem>>
      %dma_start3A_408 = arith.constant 0 : i32
      %dma_start3A_409 = tpu.memref_slice %arg5[%squeeze3A_403, %dma_start3A_408] : memref<1000000x64xf32, #tpu.memory_space<hbm>> -> memref<1x64xf32, #tpu.memory_space<hbm>>
      %dma_start3A_410 = arith.constant 0 : i32
      %dma_start3A_411 = tpu.memref_slice %arg11[%add3A_405, %dma_start3A_410] : memref<256x64xf32, #tpu.memory_space<vmem>> -> memref<1x64xf32, #tpu.memory_space<vmem>>
      %dma_start3A_412 = arith.constant 0 : i32
      %dma_start3A_413 = tpu.memref_slice %arg5[%squeeze3A_403, %dma_start3A_412] : memref<1000000x64xf32, #tpu.memory_space<hbm>> -> memref<1x64xf32, #tpu.memory_space<hbm>>
      tpu.enqueue_dma source(%dma_start3A_413 : memref<1x64xf32, #tpu.memory_space<hbm>>) target(%dma_start3A_411 : memref<1x64xf32, #tpu.memory_space<vmem>>) target_semaphore(%arg13 : memref<!tpu.dma_semaphore, #tpu.memory_space<semaphore_mem>>)
      %slice3A_414 = vector.extract_strided_slice %get3A_53 {offsets = [15], sizes = [1], strides = [1]} : vector<16xi32> to vector<1xi32>
      %squeeze3A_415 = vector.extract %slice3A_414[0] : i32 from vector<1xi32>
      %add3A_416 = arith.constant 15 : i32
      %add3A_417 = arith.addi %mul3A_51, %add3A_416 : i32
      %dma_start3A_418 = arith.constant 0 : i32
      %dma_start3A_419 = tpu.memref_slice %arg10[%add3A_417, %dma_start3A_418] : memref<256x64xf32, #tpu.memory_space<vmem>> -> memref<1x64xf32, #tpu.memory_space<vmem>>
      %dma_start3A_420 = arith.constant 0 : i32
      %dma_start3A_421 = tpu.memref_slice %arg4[%squeeze3A_415, %dma_start3A_420] : memref<1000000x64xf32, #tpu.memory_space<hbm>> -> memref<1x64xf32, #tpu.memory_space<hbm>>
      %dma_start3A_422 = arith.constant 0 : i32
      %dma_start3A_423 = tpu.memref_slice %arg10[%add3A_417, %dma_start3A_422] : memref<256x64xf32, #tpu.memory_space<vmem>> -> memref<1x64xf32, #tpu.memory_space<vmem>>
      %dma_start3A_424 = arith.constant 0 : i32
      %dma_start3A_425 = tpu.memref_slice %arg4[%squeeze3A_415, %dma_start3A_424] : memref<1000000x64xf32, #tpu.memory_space<hbm>> -> memref<1x64xf32, #tpu.memory_space<hbm>>
      tpu.enqueue_dma source(%dma_start3A_425 : memref<1x64xf32, #tpu.memory_space<hbm>>) target(%dma_start3A_423 : memref<1x64xf32, #tpu.memory_space<vmem>>) target_semaphore(%arg12 : memref<!tpu.dma_semaphore, #tpu.memory_space<semaphore_mem>>)
      %slice3A_426 = vector.extract_strided_slice %get3A_56 {offsets = [15], sizes = [1], strides = [1]} : vector<16xi32> to vector<1xi32>
      %squeeze3A_427 = vector.extract %slice3A_426[0] : i32 from vector<1xi32>
      %add3A_428 = arith.constant 15 : i32
      %add3A_429 = arith.addi %mul3A_51, %add3A_428 : i32
      %dma_start3A_430 = arith.constant 0 : i32
      %dma_start3A_431 = tpu.memref_slice %arg11[%add3A_429, %dma_start3A_430] : memref<256x64xf32, #tpu.memory_space<vmem>> -> memref<1x64xf32, #tpu.memory_space<vmem>>
      %dma_start3A_432 = arith.constant 0 : i32
      %dma_start3A_433 = tpu.memref_slice %arg5[%squeeze3A_427, %dma_start3A_432] : memref<1000000x64xf32, #tpu.memory_space<hbm>> -> memref<1x64xf32, #tpu.memory_space<hbm>>
      %dma_start3A_434 = arith.constant 0 : i32
      %dma_start3A_435 = tpu.memref_slice %arg11[%add3A_429, %dma_start3A_434] : memref<256x64xf32, #tpu.memory_space<vmem>> -> memref<1x64xf32, #tpu.memory_space<vmem>>
      %dma_start3A_436 = arith.constant 0 : i32
      %dma_start3A_437 = tpu.memref_slice %arg5[%squeeze3A_427, %dma_start3A_436] : memref<1000000x64xf32, #tpu.memory_space<hbm>> -> memref<1x64xf32, #tpu.memory_space<hbm>>
      tpu.enqueue_dma source(%dma_start3A_437 : memref<1x64xf32, #tpu.memory_space<hbm>>) target(%dma_start3A_435 : memref<1x64xf32, #tpu.memory_space<vmem>>) target_semaphore(%arg13 : memref<!tpu.dma_semaphore, #tpu.memory_space<semaphore_mem>>)
    }
    %scan3A_7 = arith.constant 16 : i32
    %dma_wait3A = arith.constant 0 : i32
    %dma_wait3A_8 = arith.constant 0 : i32
    %dma_wait3A_9 = tpu.memref_slice %arg4[%dma_wait3A, %dma_wait3A_8] : memref<1000000x64xf32, #tpu.memory_space<hbm>> -> memref<256x64xf32, #tpu.memory_space<hbm>>
    %dma_wait3A_10 = arith.constant 0 : i32
    %dma_wait3A_11 = arith.constant 0 : i32
    %dma_wait3A_12 = tpu.memref_slice %arg4[%dma_wait3A_10, %dma_wait3A_11] : memref<1000000x64xf32, #tpu.memory_space<hbm>> -> memref<256x64xf32, #tpu.memory_space<hbm>>
    tpu.wait_dma2 semaphore(%arg12 : memref<!tpu.dma_semaphore, #tpu.memory_space<semaphore_mem>>) src(%dma_wait3A_12 : memref<256x64xf32, #tpu.memory_space<hbm>>) dst(%arg10 : memref<256x64xf32, #tpu.memory_space<vmem>>)
    %dma_wait3A_13 = arith.constant 0 : i32
    %dma_wait3A_14 = arith.constant 0 : i32
    %dma_wait3A_15 = tpu.memref_slice %arg5[%dma_wait3A_13, %dma_wait3A_14] : memref<1000000x64xf32, #tpu.memory_space<hbm>> -> memref<256x64xf32, #tpu.memory_space<hbm>>
    %dma_wait3A_16 = arith.constant 0 : i32
    %dma_wait3A_17 = arith.constant 0 : i32
    %dma_wait3A_18 = tpu.memref_slice %arg5[%dma_wait3A_16, %dma_wait3A_17] : memref<1000000x64xf32, #tpu.memory_space<hbm>> -> memref<256x64xf32, #tpu.memory_space<hbm>>
    tpu.wait_dma2 semaphore(%arg13 : memref<!tpu.dma_semaphore, #tpu.memory_space<semaphore_mem>>) src(%dma_wait3A_18 : memref<256x64xf32, #tpu.memory_space<hbm>>) dst(%arg11 : memref<256x64xf32, #tpu.memory_space<vmem>>)
    %add3A_19 = arith.constant 0 : i32
    %add3A_20 = arith.addi %mul3A_2, %add3A_19 : i32
    "tpu.region"() ({
      %run_scoped3A = tpu.sem_alloc : memref<!tpu.dma_semaphore, #tpu.memory_space<semaphore_mem>>
      %dma_start3A = arith.constant 0 : i32
      %dma_start3A_45 = tpu.memref_slice %arg6[%add3A_20, %dma_start3A] : memref<16384x64xf32, #tpu.memory_space<hbm>> -> memref<256x64xf32, #tpu.memory_space<hbm>>
      %dma_start3A_46 = arith.constant 0 : i32
      %dma_start3A_47 = tpu.memref_slice %arg6[%add3A_20, %dma_start3A_46] : memref<16384x64xf32, #tpu.memory_space<hbm>> -> memref<256x64xf32, #tpu.memory_space<hbm>>
      tpu.enqueue_dma source(%arg10 : memref<256x64xf32, #tpu.memory_space<vmem>>) target(%dma_start3A_47 : memref<256x64xf32, #tpu.memory_space<hbm>>) target_semaphore(%run_scoped3A : memref<!tpu.dma_semaphore, #tpu.memory_space<semaphore_mem>>)
      %dma_wait3A_48 = arith.constant 0 : i32
      %dma_wait3A_49 = tpu.memref_slice %arg6[%add3A_20, %dma_wait3A_48] : memref<16384x64xf32, #tpu.memory_space<hbm>> -> memref<256x64xf32, #tpu.memory_space<hbm>>
      %dma_wait3A_50 = arith.constant 0 : i32
      %dma_wait3A_51 = tpu.memref_slice %arg6[%add3A_20, %dma_wait3A_50] : memref<16384x64xf32, #tpu.memory_space<hbm>> -> memref<256x64xf32, #tpu.memory_space<hbm>>
      tpu.wait_dma2 semaphore(%run_scoped3A : memref<!tpu.dma_semaphore, #tpu.memory_space<semaphore_mem>>) src(%arg10 : memref<256x64xf32, #tpu.memory_space<vmem>>) dst(%dma_wait3A_51 : memref<256x64xf32, #tpu.memory_space<hbm>>)
      tpu.yield
    }) : () -> ()
    %add3A_21 = arith.constant 0 : i32
    %add3A_22 = arith.addi %mul3A_2, %add3A_21 : i32
    "tpu.region"() ({
      %run_scoped3A = tpu.sem_alloc : memref<!tpu.dma_semaphore, #tpu.memory_space<semaphore_mem>>
      %dma_start3A = arith.constant 0 : i32
      %dma_start3A_45 = tpu.memref_slice %arg7[%add3A_22, %dma_start3A] : memref<16384x64xf32, #tpu.memory_space<hbm>> -> memref<256x64xf32, #tpu.memory_space<hbm>>
      %dma_start3A_46 = arith.constant 0 : i32
      %dma_start3A_47 = tpu.memref_slice %arg7[%add3A_22, %dma_start3A_46] : memref<16384x64xf32, #tpu.memory_space<hbm>> -> memref<256x64xf32, #tpu.memory_space<hbm>>
      tpu.enqueue_dma source(%arg11 : memref<256x64xf32, #tpu.memory_space<vmem>>) target(%dma_start3A_47 : memref<256x64xf32, #tpu.memory_space<hbm>>) target_semaphore(%run_scoped3A : memref<!tpu.dma_semaphore, #tpu.memory_space<semaphore_mem>>)
      %dma_wait3A_48 = arith.constant 0 : i32
      %dma_wait3A_49 = tpu.memref_slice %arg7[%add3A_22, %dma_wait3A_48] : memref<16384x64xf32, #tpu.memory_space<hbm>> -> memref<256x64xf32, #tpu.memory_space<hbm>>
      %dma_wait3A_50 = arith.constant 0 : i32
      %dma_wait3A_51 = tpu.memref_slice %arg7[%add3A_22, %dma_wait3A_50] : memref<16384x64xf32, #tpu.memory_space<hbm>> -> memref<256x64xf32, #tpu.memory_space<hbm>>
      tpu.wait_dma2 semaphore(%run_scoped3A : memref<!tpu.dma_semaphore, #tpu.memory_space<semaphore_mem>>) src(%arg11 : memref<256x64xf32, #tpu.memory_space<vmem>>) dst(%dma_wait3A_51 : memref<256x64xf32, #tpu.memory_space<hbm>>)
      tpu.yield
    }) : () -> ()
    %scan3A_23 = arith.constant 0 : i32
    %scan3A_24 = arith.constant 0 : i32
    %scan3A_25 = arith.constant 16 : i32
    %scan3A_26 = arith.addi %scan3A_24, %scan3A_25 : i32
    %scan3A_27 = arith.constant 1 : i32
    scf.for %scan3A_45 = %scan3A_24 to %scan3A_26 step %scan3A_27  : i32 {
      %mul3A_46 = arith.constant 16 : i32
      %mul3A_47 = arith.muli %scan3A_45, %mul3A_46 : i32
      %add3A_48 = arith.constant 256 : i32
      %add3A_49 = arith.addi %add3A_48, %mul3A_47 : i32
      %mul3A_50 = arith.constant 16 : i32
      %mul3A_51 = arith.muli %scan3A_45, %mul3A_50 : i32
      %get3A = arith.index_cast %add3A_49 : i32 to index
      %get3A_52 = tpu.vector_load %arg8[%get3A] {strides = array<i32>} : memref<512xi32, #tpu.memory_space<vmem>>, vector<16xi32>,
      %get3A_53 = vector.shape_cast %get3A_52 : vector<16xi32> to vector<16xi32>
      %get3A_54 = arith.index_cast %add3A_49 : i32 to index
      %get3A_55 = tpu.vector_load %arg9[%get3A_54] {strides = array<i32>} : memref<512xi32, #tpu.memory_space<vmem>>, vector<16xi32>,
      %get3A_56 = vector.shape_cast %get3A_55 : vector<16xi32> to vector<16xi32>
      %slice3A = vector.extract_strided_slice %get3A_53 {offsets = [0], sizes = [1], strides = [1]} : vector<16xi32> to vector<1xi32>
      %squeeze3A = vector.extract %slice3A[0] : i32 from vector<1xi32>
      %add3A_57 = arith.constant 0 : i32
      %add3A_58 = arith.addi %mul3A_51, %add3A_57 : i32
      %dma_start3A = arith.constant 0 : i32
      %dma_start3A_59 = tpu.memref_slice %arg10[%add3A_58, %dma_start3A] : memref<256x64xf32, #tpu.memory_space<vmem>> -> memref<1x64xf32, #tpu.memory_space<vmem>>
      %dma_start3A_60 = arith.constant 0 : i32
      %dma_start3A_61 = tpu.memref_slice %arg4[%squeeze3A, %dma_start3A_60] : memref<1000000x64xf32, #tpu.memory_space<hbm>> -> memref<1x64xf32, #tpu.memory_space<hbm>>
      %dma_start3A_62 = arith.constant 0 : i32
      %dma_start3A_63 = tpu.memref_slice %arg10[%add3A_58, %dma_start3A_62] : memref<256x64xf32, #tpu.memory_space<vmem>> -> memref<1x64xf32, #tpu.memory_space<vmem>>
      %dma_start3A_64 = arith.constant 0 : i32
      %dma_start3A_65 = tpu.memref_slice %arg4[%squeeze3A, %dma_start3A_64] : memref<1000000x64xf32, #tpu.memory_space<hbm>> -> memref<1x64xf32, #tpu.memory_space<hbm>>
      tpu.enqueue_dma source(%dma_start3A_65 : memref<1x64xf32, #tpu.memory_space<hbm>>) target(%dma_start3A_63 : memref<1x64xf32, #tpu.memory_space<vmem>>) target_semaphore(%arg12 : memref<!tpu.dma_semaphore, #tpu.memory_space<semaphore_mem>>)
      %slice3A_66 = vector.extract_strided_slice %get3A_56 {offsets = [0], sizes = [1], strides = [1]} : vector<16xi32> to vector<1xi32>
      %squeeze3A_67 = vector.extract %slice3A_66[0] : i32 from vector<1xi32>
      %add3A_68 = arith.constant 0 : i32
      %add3A_69 = arith.addi %mul3A_51, %add3A_68 : i32
      %dma_start3A_70 = arith.constant 0 : i32
      %dma_start3A_71 = tpu.memref_slice %arg11[%add3A_69, %dma_start3A_70] : memref<256x64xf32, #tpu.memory_space<vmem>> -> memref<1x64xf32, #tpu.memory_space<vmem>>
      %dma_start3A_72 = arith.constant 0 : i32
      %dma_start3A_73 = tpu.memref_slice %arg5[%squeeze3A_67, %dma_start3A_72] : memref<1000000x64xf32, #tpu.memory_space<hbm>> -> memref<1x64xf32, #tpu.memory_space<hbm>>
      %dma_start3A_74 = arith.constant 0 : i32
      %dma_start3A_75 = tpu.memref_slice %arg11[%add3A_69, %dma_start3A_74] : memref<256x64xf32, #tpu.memory_space<vmem>> -> memref<1x64xf32, #tpu.memory_space<vmem>>
      %dma_start3A_76 = arith.constant 0 : i32
      %dma_start3A_77 = tpu.memref_slice %arg5[%squeeze3A_67, %dma_start3A_76] : memref<1000000x64xf32, #tpu.memory_space<hbm>> -> memref<1x64xf32, #tpu.memory_space<hbm>>
      tpu.enqueue_dma source(%dma_start3A_77 : memref<1x64xf32, #tpu.memory_space<hbm>>) target(%dma_start3A_75 : memref<1x64xf32, #tpu.memory_space<vmem>>) target_semaphore(%arg13 : memref<!tpu.dma_semaphore, #tpu.memory_space<semaphore_mem>>)
      %slice3A_78 = vector.extract_strided_slice %get3A_53 {offsets = [1], sizes = [1], strides = [1]} : vector<16xi32> to vector<1xi32>
      %squeeze3A_79 = vector.extract %slice3A_78[0] : i32 from vector<1xi32>
      %add3A_80 = arith.constant 1 : i32
      %add3A_81 = arith.addi %mul3A_51, %add3A_80 : i32
      %dma_start3A_82 = arith.constant 0 : i32
      %dma_start3A_83 = tpu.memref_slice %arg10[%add3A_81, %dma_start3A_82] : memref<256x64xf32, #tpu.memory_space<vmem>> -> memref<1x64xf32, #tpu.memory_space<vmem>>
      %dma_start3A_84 = arith.constant 0 : i32
      %dma_start3A_85 = tpu.memref_slice %arg4[%squeeze3A_79, %dma_start3A_84] : memref<1000000x64xf32, #tpu.memory_space<hbm>> -> memref<1x64xf32, #tpu.memory_space<hbm>>
      %dma_start3A_86 = arith.constant 0 : i32
      %dma_start3A_87 = tpu.memref_slice %arg10[%add3A_81, %dma_start3A_86] : memref<256x64xf32, #tpu.memory_space<vmem>> -> memref<1x64xf32, #tpu.memory_space<vmem>>
      %dma_start3A_88 = arith.constant 0 : i32
      %dma_start3A_89 = tpu.memref_slice %arg4[%squeeze3A_79, %dma_start3A_88] : memref<1000000x64xf32, #tpu.memory_space<hbm>> -> memref<1x64xf32, #tpu.memory_space<hbm>>
      tpu.enqueue_dma source(%dma_start3A_89 : memref<1x64xf32, #tpu.memory_space<hbm>>) target(%dma_start3A_87 : memref<1x64xf32, #tpu.memory_space<vmem>>) target_semaphore(%arg12 : memref<!tpu.dma_semaphore, #tpu.memory_space<semaphore_mem>>)
      %slice3A_90 = vector.extract_strided_slice %get3A_56 {offsets = [1], sizes = [1], strides = [1]} : vector<16xi32> to vector<1xi32>
      %squeeze3A_91 = vector.extract %slice3A_90[0] : i32 from vector<1xi32>
      %add3A_92 = arith.constant 1 : i32
      %add3A_93 = arith.addi %mul3A_51, %add3A_92 : i32
      %dma_start3A_94 = arith.constant 0 : i32
      %dma_start3A_95 = tpu.memref_slice %arg11[%add3A_93, %dma_start3A_94] : memref<256x64xf32, #tpu.memory_space<vmem>> -> memref<1x64xf32, #tpu.memory_space<vmem>>
      %dma_start3A_96 = arith.constant 0 : i32
      %dma_start3A_97 = tpu.memref_slice %arg5[%squeeze3A_91, %dma_start3A_96] : memref<1000000x64xf32, #tpu.memory_space<hbm>> -> memref<1x64xf32, #tpu.memory_space<hbm>>
      %dma_start3A_98 = arith.constant 0 : i32
      %dma_start3A_99 = tpu.memref_slice %arg11[%add3A_93, %dma_start3A_98] : memref<256x64xf32, #tpu.memory_space<vmem>> -> memref<1x64xf32, #tpu.memory_space<vmem>>
      %dma_start3A_100 = arith.constant 0 : i32
      %dma_start3A_101 = tpu.memref_slice %arg5[%squeeze3A_91, %dma_start3A_100] : memref<1000000x64xf32, #tpu.memory_space<hbm>> -> memref<1x64xf32, #tpu.memory_space<hbm>>
      tpu.enqueue_dma source(%dma_start3A_101 : memref<1x64xf32, #tpu.memory_space<hbm>>) target(%dma_start3A_99 : memref<1x64xf32, #tpu.memory_space<vmem>>) target_semaphore(%arg13 : memref<!tpu.dma_semaphore, #tpu.memory_space<semaphore_mem>>)
      %slice3A_102 = vector.extract_strided_slice %get3A_53 {offsets = [2], sizes = [1], strides = [1]} : vector<16xi32> to vector<1xi32>
      %squeeze3A_103 = vector.extract %slice3A_102[0] : i32 from vector<1xi32>
      %add3A_104 = arith.constant 2 : i32
      %add3A_105 = arith.addi %mul3A_51, %add3A_104 : i32
      %dma_start3A_106 = arith.constant 0 : i32
      %dma_start3A_107 = tpu.memref_slice %arg10[%add3A_105, %dma_start3A_106] : memref<256x64xf32, #tpu.memory_space<vmem>> -> memref<1x64xf32, #tpu.memory_space<vmem>>
      %dma_start3A_108 = arith.constant 0 : i32
      %dma_start3A_109 = tpu.memref_slice %arg4[%squeeze3A_103, %dma_start3A_108] : memref<1000000x64xf32, #tpu.memory_space<hbm>> -> memref<1x64xf32, #tpu.memory_space<hbm>>
      %dma_start3A_110 = arith.constant 0 : i32
      %dma_start3A_111 = tpu.memref_slice %arg10[%add3A_105, %dma_start3A_110] : memref<256x64xf32, #tpu.memory_space<vmem>> -> memref<1x64xf32, #tpu.memory_space<vmem>>
      %dma_start3A_112 = arith.constant 0 : i32
      %dma_start3A_113 = tpu.memref_slice %arg4[%squeeze3A_103, %dma_start3A_112] : memref<1000000x64xf32, #tpu.memory_space<hbm>> -> memref<1x64xf32, #tpu.memory_space<hbm>>
      tpu.enqueue_dma source(%dma_start3A_113 : memref<1x64xf32, #tpu.memory_space<hbm>>) target(%dma_start3A_111 : memref<1x64xf32, #tpu.memory_space<vmem>>) target_semaphore(%arg12 : memref<!tpu.dma_semaphore, #tpu.memory_space<semaphore_mem>>)
      %slice3A_114 = vector.extract_strided_slice %get3A_56 {offsets = [2], sizes = [1], strides = [1]} : vector<16xi32> to vector<1xi32>
      %squeeze3A_115 = vector.extract %slice3A_114[0] : i32 from vector<1xi32>
      %add3A_116 = arith.constant 2 : i32
      %add3A_117 = arith.addi %mul3A_51, %add3A_116 : i32
      %dma_start3A_118 = arith.constant 0 : i32
      %dma_start3A_119 = tpu.memref_slice %arg11[%add3A_117, %dma_start3A_118] : memref<256x64xf32, #tpu.memory_space<vmem>> -> memref<1x64xf32, #tpu.memory_space<vmem>>
      %dma_start3A_120 = arith.constant 0 : i32
      %dma_start3A_121 = tpu.memref_slice %arg5[%squeeze3A_115, %dma_start3A_120] : memref<1000000x64xf32, #tpu.memory_space<hbm>> -> memref<1x64xf32, #tpu.memory_space<hbm>>
      %dma_start3A_122 = arith.constant 0 : i32
      %dma_start3A_123 = tpu.memref_slice %arg11[%add3A_117, %dma_start3A_122] : memref<256x64xf32, #tpu.memory_space<vmem>> -> memref<1x64xf32, #tpu.memory_space<vmem>>
      %dma_start3A_124 = arith.constant 0 : i32
      %dma_start3A_125 = tpu.memref_slice %arg5[%squeeze3A_115, %dma_start3A_124] : memref<1000000x64xf32, #tpu.memory_space<hbm>> -> memref<1x64xf32, #tpu.memory_space<hbm>>
      tpu.enqueue_dma source(%dma_start3A_125 : memref<1x64xf32, #tpu.memory_space<hbm>>) target(%dma_start3A_123 : memref<1x64xf32, #tpu.memory_space<vmem>>) target_semaphore(%arg13 : memref<!tpu.dma_semaphore, #tpu.memory_space<semaphore_mem>>)
      %slice3A_126 = vector.extract_strided_slice %get3A_53 {offsets = [3], sizes = [1], strides = [1]} : vector<16xi32> to vector<1xi32>
      %squeeze3A_127 = vector.extract %slice3A_126[0] : i32 from vector<1xi32>
      %add3A_128 = arith.constant 3 : i32
      %add3A_129 = arith.addi %mul3A_51, %add3A_128 : i32
      %dma_start3A_130 = arith.constant 0 : i32
      %dma_start3A_131 = tpu.memref_slice %arg10[%add3A_129, %dma_start3A_130] : memref<256x64xf32, #tpu.memory_space<vmem>> -> memref<1x64xf32, #tpu.memory_space<vmem>>
      %dma_start3A_132 = arith.constant 0 : i32
      %dma_start3A_133 = tpu.memref_slice %arg4[%squeeze3A_127, %dma_start3A_132] : memref<1000000x64xf32, #tpu.memory_space<hbm>> -> memref<1x64xf32, #tpu.memory_space<hbm>>
      %dma_start3A_134 = arith.constant 0 : i32
      %dma_start3A_135 = tpu.memref_slice %arg10[%add3A_129, %dma_start3A_134] : memref<256x64xf32, #tpu.memory_space<vmem>> -> memref<1x64xf32, #tpu.memory_space<vmem>>
      %dma_start3A_136 = arith.constant 0 : i32
      %dma_start3A_137 = tpu.memref_slice %arg4[%squeeze3A_127, %dma_start3A_136] : memref<1000000x64xf32, #tpu.memory_space<hbm>> -> memref<1x64xf32, #tpu.memory_space<hbm>>
      tpu.enqueue_dma source(%dma_start3A_137 : memref<1x64xf32, #tpu.memory_space<hbm>>) target(%dma_start3A_135 : memref<1x64xf32, #tpu.memory_space<vmem>>) target_semaphore(%arg12 : memref<!tpu.dma_semaphore, #tpu.memory_space<semaphore_mem>>)
      %slice3A_138 = vector.extract_strided_slice %get3A_56 {offsets = [3], sizes = [1], strides = [1]} : vector<16xi32> to vector<1xi32>
      %squeeze3A_139 = vector.extract %slice3A_138[0] : i32 from vector<1xi32>
      %add3A_140 = arith.constant 3 : i32
      %add3A_141 = arith.addi %mul3A_51, %add3A_140 : i32
      %dma_start3A_142 = arith.constant 0 : i32
      %dma_start3A_143 = tpu.memref_slice %arg11[%add3A_141, %dma_start3A_142] : memref<256x64xf32, #tpu.memory_space<vmem>> -> memref<1x64xf32, #tpu.memory_space<vmem>>
      %dma_start3A_144 = arith.constant 0 : i32
      %dma_start3A_145 = tpu.memref_slice %arg5[%squeeze3A_139, %dma_start3A_144] : memref<1000000x64xf32, #tpu.memory_space<hbm>> -> memref<1x64xf32, #tpu.memory_space<hbm>>
      %dma_start3A_146 = arith.constant 0 : i32
      %dma_start3A_147 = tpu.memref_slice %arg11[%add3A_141, %dma_start3A_146] : memref<256x64xf32, #tpu.memory_space<vmem>> -> memref<1x64xf32, #tpu.memory_space<vmem>>
      %dma_start3A_148 = arith.constant 0 : i32
      %dma_start3A_149 = tpu.memref_slice %arg5[%squeeze3A_139, %dma_start3A_148] : memref<1000000x64xf32, #tpu.memory_space<hbm>> -> memref<1x64xf32, #tpu.memory_space<hbm>>
      tpu.enqueue_dma source(%dma_start3A_149 : memref<1x64xf32, #tpu.memory_space<hbm>>) target(%dma_start3A_147 : memref<1x64xf32, #tpu.memory_space<vmem>>) target_semaphore(%arg13 : memref<!tpu.dma_semaphore, #tpu.memory_space<semaphore_mem>>)
      %slice3A_150 = vector.extract_strided_slice %get3A_53 {offsets = [4], sizes = [1], strides = [1]} : vector<16xi32> to vector<1xi32>
      %squeeze3A_151 = vector.extract %slice3A_150[0] : i32 from vector<1xi32>
      %add3A_152 = arith.constant 4 : i32
      %add3A_153 = arith.addi %mul3A_51, %add3A_152 : i32
      %dma_start3A_154 = arith.constant 0 : i32
      %dma_start3A_155 = tpu.memref_slice %arg10[%add3A_153, %dma_start3A_154] : memref<256x64xf32, #tpu.memory_space<vmem>> -> memref<1x64xf32, #tpu.memory_space<vmem>>
      %dma_start3A_156 = arith.constant 0 : i32
      %dma_start3A_157 = tpu.memref_slice %arg4[%squeeze3A_151, %dma_start3A_156] : memref<1000000x64xf32, #tpu.memory_space<hbm>> -> memref<1x64xf32, #tpu.memory_space<hbm>>
      %dma_start3A_158 = arith.constant 0 : i32
      %dma_start3A_159 = tpu.memref_slice %arg10[%add3A_153, %dma_start3A_158] : memref<256x64xf32, #tpu.memory_space<vmem>> -> memref<1x64xf32, #tpu.memory_space<vmem>>
      %dma_start3A_160 = arith.constant 0 : i32
      %dma_start3A_161 = tpu.memref_slice %arg4[%squeeze3A_151, %dma_start3A_160] : memref<1000000x64xf32, #tpu.memory_space<hbm>> -> memref<1x64xf32, #tpu.memory_space<hbm>>
      tpu.enqueue_dma source(%dma_start3A_161 : memref<1x64xf32, #tpu.memory_space<hbm>>) target(%dma_start3A_159 : memref<1x64xf32, #tpu.memory_space<vmem>>) target_semaphore(%arg12 : memref<!tpu.dma_semaphore, #tpu.memory_space<semaphore_mem>>)
      %slice3A_162 = vector.extract_strided_slice %get3A_56 {offsets = [4], sizes = [1], strides = [1]} : vector<16xi32> to vector<1xi32>
      %squeeze3A_163 = vector.extract %slice3A_162[0] : i32 from vector<1xi32>
      %add3A_164 = arith.constant 4 : i32
      %add3A_165 = arith.addi %mul3A_51, %add3A_164 : i32
      %dma_start3A_166 = arith.constant 0 : i32
      %dma_start3A_167 = tpu.memref_slice %arg11[%add3A_165, %dma_start3A_166] : memref<256x64xf32, #tpu.memory_space<vmem>> -> memref<1x64xf32, #tpu.memory_space<vmem>>
      %dma_start3A_168 = arith.constant 0 : i32
      %dma_start3A_169 = tpu.memref_slice %arg5[%squeeze3A_163, %dma_start3A_168] : memref<1000000x64xf32, #tpu.memory_space<hbm>> -> memref<1x64xf32, #tpu.memory_space<hbm>>
      %dma_start3A_170 = arith.constant 0 : i32
      %dma_start3A_171 = tpu.memref_slice %arg11[%add3A_165, %dma_start3A_170] : memref<256x64xf32, #tpu.memory_space<vmem>> -> memref<1x64xf32, #tpu.memory_space<vmem>>
      %dma_start3A_172 = arith.constant 0 : i32
      %dma_start3A_173 = tpu.memref_slice %arg5[%squeeze3A_163, %dma_start3A_172] : memref<1000000x64xf32, #tpu.memory_space<hbm>> -> memref<1x64xf32, #tpu.memory_space<hbm>>
      tpu.enqueue_dma source(%dma_start3A_173 : memref<1x64xf32, #tpu.memory_space<hbm>>) target(%dma_start3A_171 : memref<1x64xf32, #tpu.memory_space<vmem>>) target_semaphore(%arg13 : memref<!tpu.dma_semaphore, #tpu.memory_space<semaphore_mem>>)
      %slice3A_174 = vector.extract_strided_slice %get3A_53 {offsets = [5], sizes = [1], strides = [1]} : vector<16xi32> to vector<1xi32>
      %squeeze3A_175 = vector.extract %slice3A_174[0] : i32 from vector<1xi32>
      %add3A_176 = arith.constant 5 : i32
      %add3A_177 = arith.addi %mul3A_51, %add3A_176 : i32
      %dma_start3A_178 = arith.constant 0 : i32
      %dma_start3A_179 = tpu.memref_slice %arg10[%add3A_177, %dma_start3A_178] : memref<256x64xf32, #tpu.memory_space<vmem>> -> memref<1x64xf32, #tpu.memory_space<vmem>>
      %dma_start3A_180 = arith.constant 0 : i32
      %dma_start3A_181 = tpu.memref_slice %arg4[%squeeze3A_175, %dma_start3A_180] : memref<1000000x64xf32, #tpu.memory_space<hbm>> -> memref<1x64xf32, #tpu.memory_space<hbm>>
      %dma_start3A_182 = arith.constant 0 : i32
      %dma_start3A_183 = tpu.memref_slice %arg10[%add3A_177, %dma_start3A_182] : memref<256x64xf32, #tpu.memory_space<vmem>> -> memref<1x64xf32, #tpu.memory_space<vmem>>
      %dma_start3A_184 = arith.constant 0 : i32
      %dma_start3A_185 = tpu.memref_slice %arg4[%squeeze3A_175, %dma_start3A_184] : memref<1000000x64xf32, #tpu.memory_space<hbm>> -> memref<1x64xf32, #tpu.memory_space<hbm>>
      tpu.enqueue_dma source(%dma_start3A_185 : memref<1x64xf32, #tpu.memory_space<hbm>>) target(%dma_start3A_183 : memref<1x64xf32, #tpu.memory_space<vmem>>) target_semaphore(%arg12 : memref<!tpu.dma_semaphore, #tpu.memory_space<semaphore_mem>>)
      %slice3A_186 = vector.extract_strided_slice %get3A_56 {offsets = [5], sizes = [1], strides = [1]} : vector<16xi32> to vector<1xi32>
      %squeeze3A_187 = vector.extract %slice3A_186[0] : i32 from vector<1xi32>
      %add3A_188 = arith.constant 5 : i32
      %add3A_189 = arith.addi %mul3A_51, %add3A_188 : i32
      %dma_start3A_190 = arith.constant 0 : i32
      %dma_start3A_191 = tpu.memref_slice %arg11[%add3A_189, %dma_start3A_190] : memref<256x64xf32, #tpu.memory_space<vmem>> -> memref<1x64xf32, #tpu.memory_space<vmem>>
      %dma_start3A_192 = arith.constant 0 : i32
      %dma_start3A_193 = tpu.memref_slice %arg5[%squeeze3A_187, %dma_start3A_192] : memref<1000000x64xf32, #tpu.memory_space<hbm>> -> memref<1x64xf32, #tpu.memory_space<hbm>>
      %dma_start3A_194 = arith.constant 0 : i32
      %dma_start3A_195 = tpu.memref_slice %arg11[%add3A_189, %dma_start3A_194] : memref<256x64xf32, #tpu.memory_space<vmem>> -> memref<1x64xf32, #tpu.memory_space<vmem>>
      %dma_start3A_196 = arith.constant 0 : i32
      %dma_start3A_197 = tpu.memref_slice %arg5[%squeeze3A_187, %dma_start3A_196] : memref<1000000x64xf32, #tpu.memory_space<hbm>> -> memref<1x64xf32, #tpu.memory_space<hbm>>
      tpu.enqueue_dma source(%dma_start3A_197 : memref<1x64xf32, #tpu.memory_space<hbm>>) target(%dma_start3A_195 : memref<1x64xf32, #tpu.memory_space<vmem>>) target_semaphore(%arg13 : memref<!tpu.dma_semaphore, #tpu.memory_space<semaphore_mem>>)
      %slice3A_198 = vector.extract_strided_slice %get3A_53 {offsets = [6], sizes = [1], strides = [1]} : vector<16xi32> to vector<1xi32>
      %squeeze3A_199 = vector.extract %slice3A_198[0] : i32 from vector<1xi32>
      %add3A_200 = arith.constant 6 : i32
      %add3A_201 = arith.addi %mul3A_51, %add3A_200 : i32
      %dma_start3A_202 = arith.constant 0 : i32
      %dma_start3A_203 = tpu.memref_slice %arg10[%add3A_201, %dma_start3A_202] : memref<256x64xf32, #tpu.memory_space<vmem>> -> memref<1x64xf32, #tpu.memory_space<vmem>>
      %dma_start3A_204 = arith.constant 0 : i32
      %dma_start3A_205 = tpu.memref_slice %arg4[%squeeze3A_199, %dma_start3A_204] : memref<1000000x64xf32, #tpu.memory_space<hbm>> -> memref<1x64xf32, #tpu.memory_space<hbm>>
      %dma_start3A_206 = arith.constant 0 : i32
      %dma_start3A_207 = tpu.memref_slice %arg10[%add3A_201, %dma_start3A_206] : memref<256x64xf32, #tpu.memory_space<vmem>> -> memref<1x64xf32, #tpu.memory_space<vmem>>
      %dma_start3A_208 = arith.constant 0 : i32
      %dma_start3A_209 = tpu.memref_slice %arg4[%squeeze3A_199, %dma_start3A_208] : memref<1000000x64xf32, #tpu.memory_space<hbm>> -> memref<1x64xf32, #tpu.memory_space<hbm>>
      tpu.enqueue_dma source(%dma_start3A_209 : memref<1x64xf32, #tpu.memory_space<hbm>>) target(%dma_start3A_207 : memref<1x64xf32, #tpu.memory_space<vmem>>) target_semaphore(%arg12 : memref<!tpu.dma_semaphore, #tpu.memory_space<semaphore_mem>>)
      %slice3A_210 = vector.extract_strided_slice %get3A_56 {offsets = [6], sizes = [1], strides = [1]} : vector<16xi32> to vector<1xi32>
      %squeeze3A_211 = vector.extract %slice3A_210[0] : i32 from vector<1xi32>
      %add3A_212 = arith.constant 6 : i32
      %add3A_213 = arith.addi %mul3A_51, %add3A_212 : i32
      %dma_start3A_214 = arith.constant 0 : i32
      %dma_start3A_215 = tpu.memref_slice %arg11[%add3A_213, %dma_start3A_214] : memref<256x64xf32, #tpu.memory_space<vmem>> -> memref<1x64xf32, #tpu.memory_space<vmem>>
      %dma_start3A_216 = arith.constant 0 : i32
      %dma_start3A_217 = tpu.memref_slice %arg5[%squeeze3A_211, %dma_start3A_216] : memref<1000000x64xf32, #tpu.memory_space<hbm>> -> memref<1x64xf32, #tpu.memory_space<hbm>>
      %dma_start3A_218 = arith.constant 0 : i32
      %dma_start3A_219 = tpu.memref_slice %arg11[%add3A_213, %dma_start3A_218] : memref<256x64xf32, #tpu.memory_space<vmem>> -> memref<1x64xf32, #tpu.memory_space<vmem>>
      %dma_start3A_220 = arith.constant 0 : i32
      %dma_start3A_221 = tpu.memref_slice %arg5[%squeeze3A_211, %dma_start3A_220] : memref<1000000x64xf32, #tpu.memory_space<hbm>> -> memref<1x64xf32, #tpu.memory_space<hbm>>
      tpu.enqueue_dma source(%dma_start3A_221 : memref<1x64xf32, #tpu.memory_space<hbm>>) target(%dma_start3A_219 : memref<1x64xf32, #tpu.memory_space<vmem>>) target_semaphore(%arg13 : memref<!tpu.dma_semaphore, #tpu.memory_space<semaphore_mem>>)
      %slice3A_222 = vector.extract_strided_slice %get3A_53 {offsets = [7], sizes = [1], strides = [1]} : vector<16xi32> to vector<1xi32>
      %squeeze3A_223 = vector.extract %slice3A_222[0] : i32 from vector<1xi32>
      %add3A_224 = arith.constant 7 : i32
      %add3A_225 = arith.addi %mul3A_51, %add3A_224 : i32
      %dma_start3A_226 = arith.constant 0 : i32
      %dma_start3A_227 = tpu.memref_slice %arg10[%add3A_225, %dma_start3A_226] : memref<256x64xf32, #tpu.memory_space<vmem>> -> memref<1x64xf32, #tpu.memory_space<vmem>>
      %dma_start3A_228 = arith.constant 0 : i32
      %dma_start3A_229 = tpu.memref_slice %arg4[%squeeze3A_223, %dma_start3A_228] : memref<1000000x64xf32, #tpu.memory_space<hbm>> -> memref<1x64xf32, #tpu.memory_space<hbm>>
      %dma_start3A_230 = arith.constant 0 : i32
      %dma_start3A_231 = tpu.memref_slice %arg10[%add3A_225, %dma_start3A_230] : memref<256x64xf32, #tpu.memory_space<vmem>> -> memref<1x64xf32, #tpu.memory_space<vmem>>
      %dma_start3A_232 = arith.constant 0 : i32
      %dma_start3A_233 = tpu.memref_slice %arg4[%squeeze3A_223, %dma_start3A_232] : memref<1000000x64xf32, #tpu.memory_space<hbm>> -> memref<1x64xf32, #tpu.memory_space<hbm>>
      tpu.enqueue_dma source(%dma_start3A_233 : memref<1x64xf32, #tpu.memory_space<hbm>>) target(%dma_start3A_231 : memref<1x64xf32, #tpu.memory_space<vmem>>) target_semaphore(%arg12 : memref<!tpu.dma_semaphore, #tpu.memory_space<semaphore_mem>>)
      %slice3A_234 = vector.extract_strided_slice %get3A_56 {offsets = [7], sizes = [1], strides = [1]} : vector<16xi32> to vector<1xi32>
      %squeeze3A_235 = vector.extract %slice3A_234[0] : i32 from vector<1xi32>
      %add3A_236 = arith.constant 7 : i32
      %add3A_237 = arith.addi %mul3A_51, %add3A_236 : i32
      %dma_start3A_238 = arith.constant 0 : i32
      %dma_start3A_239 = tpu.memref_slice %arg11[%add3A_237, %dma_start3A_238] : memref<256x64xf32, #tpu.memory_space<vmem>> -> memref<1x64xf32, #tpu.memory_space<vmem>>
      %dma_start3A_240 = arith.constant 0 : i32
      %dma_start3A_241 = tpu.memref_slice %arg5[%squeeze3A_235, %dma_start3A_240] : memref<1000000x64xf32, #tpu.memory_space<hbm>> -> memref<1x64xf32, #tpu.memory_space<hbm>>
      %dma_start3A_242 = arith.constant 0 : i32
      %dma_start3A_243 = tpu.memref_slice %arg11[%add3A_237, %dma_start3A_242] : memref<256x64xf32, #tpu.memory_space<vmem>> -> memref<1x64xf32, #tpu.memory_space<vmem>>
      %dma_start3A_244 = arith.constant 0 : i32
      %dma_start3A_245 = tpu.memref_slice %arg5[%squeeze3A_235, %dma_start3A_244] : memref<1000000x64xf32, #tpu.memory_space<hbm>> -> memref<1x64xf32, #tpu.memory_space<hbm>>
      tpu.enqueue_dma source(%dma_start3A_245 : memref<1x64xf32, #tpu.memory_space<hbm>>) target(%dma_start3A_243 : memref<1x64xf32, #tpu.memory_space<vmem>>) target_semaphore(%arg13 : memref<!tpu.dma_semaphore, #tpu.memory_space<semaphore_mem>>)
      %slice3A_246 = vector.extract_strided_slice %get3A_53 {offsets = [8], sizes = [1], strides = [1]} : vector<16xi32> to vector<1xi32>
      %squeeze3A_247 = vector.extract %slice3A_246[0] : i32 from vector<1xi32>
      %add3A_248 = arith.constant 8 : i32
      %add3A_249 = arith.addi %mul3A_51, %add3A_248 : i32
      %dma_start3A_250 = arith.constant 0 : i32
      %dma_start3A_251 = tpu.memref_slice %arg10[%add3A_249, %dma_start3A_250] : memref<256x64xf32, #tpu.memory_space<vmem>> -> memref<1x64xf32, #tpu.memory_space<vmem>>
      %dma_start3A_252 = arith.constant 0 : i32
      %dma_start3A_253 = tpu.memref_slice %arg4[%squeeze3A_247, %dma_start3A_252] : memref<1000000x64xf32, #tpu.memory_space<hbm>> -> memref<1x64xf32, #tpu.memory_space<hbm>>
      %dma_start3A_254 = arith.constant 0 : i32
      %dma_start3A_255 = tpu.memref_slice %arg10[%add3A_249, %dma_start3A_254] : memref<256x64xf32, #tpu.memory_space<vmem>> -> memref<1x64xf32, #tpu.memory_space<vmem>>
      %dma_start3A_256 = arith.constant 0 : i32
      %dma_start3A_257 = tpu.memref_slice %arg4[%squeeze3A_247, %dma_start3A_256] : memref<1000000x64xf32, #tpu.memory_space<hbm>> -> memref<1x64xf32, #tpu.memory_space<hbm>>
      tpu.enqueue_dma source(%dma_start3A_257 : memref<1x64xf32, #tpu.memory_space<hbm>>) target(%dma_start3A_255 : memref<1x64xf32, #tpu.memory_space<vmem>>) target_semaphore(%arg12 : memref<!tpu.dma_semaphore, #tpu.memory_space<semaphore_mem>>)
      %slice3A_258 = vector.extract_strided_slice %get3A_56 {offsets = [8], sizes = [1], strides = [1]} : vector<16xi32> to vector<1xi32>
      %squeeze3A_259 = vector.extract %slice3A_258[0] : i32 from vector<1xi32>
      %add3A_260 = arith.constant 8 : i32
      %add3A_261 = arith.addi %mul3A_51, %add3A_260 : i32
      %dma_start3A_262 = arith.constant 0 : i32
      %dma_start3A_263 = tpu.memref_slice %arg11[%add3A_261, %dma_start3A_262] : memref<256x64xf32, #tpu.memory_space<vmem>> -> memref<1x64xf32, #tpu.memory_space<vmem>>
      %dma_start3A_264 = arith.constant 0 : i32
      %dma_start3A_265 = tpu.memref_slice %arg5[%squeeze3A_259, %dma_start3A_264] : memref<1000000x64xf32, #tpu.memory_space<hbm>> -> memref<1x64xf32, #tpu.memory_space<hbm>>
      %dma_start3A_266 = arith.constant 0 : i32
      %dma_start3A_267 = tpu.memref_slice %arg11[%add3A_261, %dma_start3A_266] : memref<256x64xf32, #tpu.memory_space<vmem>> -> memref<1x64xf32, #tpu.memory_space<vmem>>
      %dma_start3A_268 = arith.constant 0 : i32
      %dma_start3A_269 = tpu.memref_slice %arg5[%squeeze3A_259, %dma_start3A_268] : memref<1000000x64xf32, #tpu.memory_space<hbm>> -> memref<1x64xf32, #tpu.memory_space<hbm>>
      tpu.enqueue_dma source(%dma_start3A_269 : memref<1x64xf32, #tpu.memory_space<hbm>>) target(%dma_start3A_267 : memref<1x64xf32, #tpu.memory_space<vmem>>) target_semaphore(%arg13 : memref<!tpu.dma_semaphore, #tpu.memory_space<semaphore_mem>>)
      %slice3A_270 = vector.extract_strided_slice %get3A_53 {offsets = [9], sizes = [1], strides = [1]} : vector<16xi32> to vector<1xi32>
      %squeeze3A_271 = vector.extract %slice3A_270[0] : i32 from vector<1xi32>
      %add3A_272 = arith.constant 9 : i32
      %add3A_273 = arith.addi %mul3A_51, %add3A_272 : i32
      %dma_start3A_274 = arith.constant 0 : i32
      %dma_start3A_275 = tpu.memref_slice %arg10[%add3A_273, %dma_start3A_274] : memref<256x64xf32, #tpu.memory_space<vmem>> -> memref<1x64xf32, #tpu.memory_space<vmem>>
      %dma_start3A_276 = arith.constant 0 : i32
      %dma_start3A_277 = tpu.memref_slice %arg4[%squeeze3A_271, %dma_start3A_276] : memref<1000000x64xf32, #tpu.memory_space<hbm>> -> memref<1x64xf32, #tpu.memory_space<hbm>>
      %dma_start3A_278 = arith.constant 0 : i32
      %dma_start3A_279 = tpu.memref_slice %arg10[%add3A_273, %dma_start3A_278] : memref<256x64xf32, #tpu.memory_space<vmem>> -> memref<1x64xf32, #tpu.memory_space<vmem>>
      %dma_start3A_280 = arith.constant 0 : i32
      %dma_start3A_281 = tpu.memref_slice %arg4[%squeeze3A_271, %dma_start3A_280] : memref<1000000x64xf32, #tpu.memory_space<hbm>> -> memref<1x64xf32, #tpu.memory_space<hbm>>
      tpu.enqueue_dma source(%dma_start3A_281 : memref<1x64xf32, #tpu.memory_space<hbm>>) target(%dma_start3A_279 : memref<1x64xf32, #tpu.memory_space<vmem>>) target_semaphore(%arg12 : memref<!tpu.dma_semaphore, #tpu.memory_space<semaphore_mem>>)
      %slice3A_282 = vector.extract_strided_slice %get3A_56 {offsets = [9], sizes = [1], strides = [1]} : vector<16xi32> to vector<1xi32>
      %squeeze3A_283 = vector.extract %slice3A_282[0] : i32 from vector<1xi32>
      %add3A_284 = arith.constant 9 : i32
      %add3A_285 = arith.addi %mul3A_51, %add3A_284 : i32
      %dma_start3A_286 = arith.constant 0 : i32
      %dma_start3A_287 = tpu.memref_slice %arg11[%add3A_285, %dma_start3A_286] : memref<256x64xf32, #tpu.memory_space<vmem>> -> memref<1x64xf32, #tpu.memory_space<vmem>>
      %dma_start3A_288 = arith.constant 0 : i32
      %dma_start3A_289 = tpu.memref_slice %arg5[%squeeze3A_283, %dma_start3A_288] : memref<1000000x64xf32, #tpu.memory_space<hbm>> -> memref<1x64xf32, #tpu.memory_space<hbm>>
      %dma_start3A_290 = arith.constant 0 : i32
      %dma_start3A_291 = tpu.memref_slice %arg11[%add3A_285, %dma_start3A_290] : memref<256x64xf32, #tpu.memory_space<vmem>> -> memref<1x64xf32, #tpu.memory_space<vmem>>
      %dma_start3A_292 = arith.constant 0 : i32
      %dma_start3A_293 = tpu.memref_slice %arg5[%squeeze3A_283, %dma_start3A_292] : memref<1000000x64xf32, #tpu.memory_space<hbm>> -> memref<1x64xf32, #tpu.memory_space<hbm>>
      tpu.enqueue_dma source(%dma_start3A_293 : memref<1x64xf32, #tpu.memory_space<hbm>>) target(%dma_start3A_291 : memref<1x64xf32, #tpu.memory_space<vmem>>) target_semaphore(%arg13 : memref<!tpu.dma_semaphore, #tpu.memory_space<semaphore_mem>>)
      %slice3A_294 = vector.extract_strided_slice %get3A_53 {offsets = [10], sizes = [1], strides = [1]} : vector<16xi32> to vector<1xi32>
      %squeeze3A_295 = vector.extract %slice3A_294[0] : i32 from vector<1xi32>
      %add3A_296 = arith.constant 10 : i32
      %add3A_297 = arith.addi %mul3A_51, %add3A_296 : i32
      %dma_start3A_298 = arith.constant 0 : i32
      %dma_start3A_299 = tpu.memref_slice %arg10[%add3A_297, %dma_start3A_298] : memref<256x64xf32, #tpu.memory_space<vmem>> -> memref<1x64xf32, #tpu.memory_space<vmem>>
      %dma_start3A_300 = arith.constant 0 : i32
      %dma_start3A_301 = tpu.memref_slice %arg4[%squeeze3A_295, %dma_start3A_300] : memref<1000000x64xf32, #tpu.memory_space<hbm>> -> memref<1x64xf32, #tpu.memory_space<hbm>>
      %dma_start3A_302 = arith.constant 0 : i32
      %dma_start3A_303 = tpu.memref_slice %arg10[%add3A_297, %dma_start3A_302] : memref<256x64xf32, #tpu.memory_space<vmem>> -> memref<1x64xf32, #tpu.memory_space<vmem>>
      %dma_start3A_304 = arith.constant 0 : i32
      %dma_start3A_305 = tpu.memref_slice %arg4[%squeeze3A_295, %dma_start3A_304] : memref<1000000x64xf32, #tpu.memory_space<hbm>> -> memref<1x64xf32, #tpu.memory_space<hbm>>
      tpu.enqueue_dma source(%dma_start3A_305 : memref<1x64xf32, #tpu.memory_space<hbm>>) target(%dma_start3A_303 : memref<1x64xf32, #tpu.memory_space<vmem>>) target_semaphore(%arg12 : memref<!tpu.dma_semaphore, #tpu.memory_space<semaphore_mem>>)
      %slice3A_306 = vector.extract_strided_slice %get3A_56 {offsets = [10], sizes = [1], strides = [1]} : vector<16xi32> to vector<1xi32>
      %squeeze3A_307 = vector.extract %slice3A_306[0] : i32 from vector<1xi32>
      %add3A_308 = arith.constant 10 : i32
      %add3A_309 = arith.addi %mul3A_51, %add3A_308 : i32
      %dma_start3A_310 = arith.constant 0 : i32
      %dma_start3A_311 = tpu.memref_slice %arg11[%add3A_309, %dma_start3A_310] : memref<256x64xf32, #tpu.memory_space<vmem>> -> memref<1x64xf32, #tpu.memory_space<vmem>>
      %dma_start3A_312 = arith.constant 0 : i32
      %dma_start3A_313 = tpu.memref_slice %arg5[%squeeze3A_307, %dma_start3A_312] : memref<1000000x64xf32, #tpu.memory_space<hbm>> -> memref<1x64xf32, #tpu.memory_space<hbm>>
      %dma_start3A_314 = arith.constant 0 : i32
      %dma_start3A_315 = tpu.memref_slice %arg11[%add3A_309, %dma_start3A_314] : memref<256x64xf32, #tpu.memory_space<vmem>> -> memref<1x64xf32, #tpu.memory_space<vmem>>
      %dma_start3A_316 = arith.constant 0 : i32
      %dma_start3A_317 = tpu.memref_slice %arg5[%squeeze3A_307, %dma_start3A_316] : memref<1000000x64xf32, #tpu.memory_space<hbm>> -> memref<1x64xf32, #tpu.memory_space<hbm>>
      tpu.enqueue_dma source(%dma_start3A_317 : memref<1x64xf32, #tpu.memory_space<hbm>>) target(%dma_start3A_315 : memref<1x64xf32, #tpu.memory_space<vmem>>) target_semaphore(%arg13 : memref<!tpu.dma_semaphore, #tpu.memory_space<semaphore_mem>>)
      %slice3A_318 = vector.extract_strided_slice %get3A_53 {offsets = [11], sizes = [1], strides = [1]} : vector<16xi32> to vector<1xi32>
      %squeeze3A_319 = vector.extract %slice3A_318[0] : i32 from vector<1xi32>
      %add3A_320 = arith.constant 11 : i32
      %add3A_321 = arith.addi %mul3A_51, %add3A_320 : i32
      %dma_start3A_322 = arith.constant 0 : i32
      %dma_start3A_323 = tpu.memref_slice %arg10[%add3A_321, %dma_start3A_322] : memref<256x64xf32, #tpu.memory_space<vmem>> -> memref<1x64xf32, #tpu.memory_space<vmem>>
      %dma_start3A_324 = arith.constant 0 : i32
      %dma_start3A_325 = tpu.memref_slice %arg4[%squeeze3A_319, %dma_start3A_324] : memref<1000000x64xf32, #tpu.memory_space<hbm>> -> memref<1x64xf32, #tpu.memory_space<hbm>>
      %dma_start3A_326 = arith.constant 0 : i32
      %dma_start3A_327 = tpu.memref_slice %arg10[%add3A_321, %dma_start3A_326] : memref<256x64xf32, #tpu.memory_space<vmem>> -> memref<1x64xf32, #tpu.memory_space<vmem>>
      %dma_start3A_328 = arith.constant 0 : i32
      %dma_start3A_329 = tpu.memref_slice %arg4[%squeeze3A_319, %dma_start3A_328] : memref<1000000x64xf32, #tpu.memory_space<hbm>> -> memref<1x64xf32, #tpu.memory_space<hbm>>
      tpu.enqueue_dma source(%dma_start3A_329 : memref<1x64xf32, #tpu.memory_space<hbm>>) target(%dma_start3A_327 : memref<1x64xf32, #tpu.memory_space<vmem>>) target_semaphore(%arg12 : memref<!tpu.dma_semaphore, #tpu.memory_space<semaphore_mem>>)
      %slice3A_330 = vector.extract_strided_slice %get3A_56 {offsets = [11], sizes = [1], strides = [1]} : vector<16xi32> to vector<1xi32>
      %squeeze3A_331 = vector.extract %slice3A_330[0] : i32 from vector<1xi32>
      %add3A_332 = arith.constant 11 : i32
      %add3A_333 = arith.addi %mul3A_51, %add3A_332 : i32
      %dma_start3A_334 = arith.constant 0 : i32
      %dma_start3A_335 = tpu.memref_slice %arg11[%add3A_333, %dma_start3A_334] : memref<256x64xf32, #tpu.memory_space<vmem>> -> memref<1x64xf32, #tpu.memory_space<vmem>>
      %dma_start3A_336 = arith.constant 0 : i32
      %dma_start3A_337 = tpu.memref_slice %arg5[%squeeze3A_331, %dma_start3A_336] : memref<1000000x64xf32, #tpu.memory_space<hbm>> -> memref<1x64xf32, #tpu.memory_space<hbm>>
      %dma_start3A_338 = arith.constant 0 : i32
      %dma_start3A_339 = tpu.memref_slice %arg11[%add3A_333, %dma_start3A_338] : memref<256x64xf32, #tpu.memory_space<vmem>> -> memref<1x64xf32, #tpu.memory_space<vmem>>
      %dma_start3A_340 = arith.constant 0 : i32
      %dma_start3A_341 = tpu.memref_slice %arg5[%squeeze3A_331, %dma_start3A_340] : memref<1000000x64xf32, #tpu.memory_space<hbm>> -> memref<1x64xf32, #tpu.memory_space<hbm>>
      tpu.enqueue_dma source(%dma_start3A_341 : memref<1x64xf32, #tpu.memory_space<hbm>>) target(%dma_start3A_339 : memref<1x64xf32, #tpu.memory_space<vmem>>) target_semaphore(%arg13 : memref<!tpu.dma_semaphore, #tpu.memory_space<semaphore_mem>>)
      %slice3A_342 = vector.extract_strided_slice %get3A_53 {offsets = [12], sizes = [1], strides = [1]} : vector<16xi32> to vector<1xi32>
      %squeeze3A_343 = vector.extract %slice3A_342[0] : i32 from vector<1xi32>
      %add3A_344 = arith.constant 12 : i32
      %add3A_345 = arith.addi %mul3A_51, %add3A_344 : i32
      %dma_start3A_346 = arith.constant 0 : i32
      %dma_start3A_347 = tpu.memref_slice %arg10[%add3A_345, %dma_start3A_346] : memref<256x64xf32, #tpu.memory_space<vmem>> -> memref<1x64xf32, #tpu.memory_space<vmem>>
      %dma_start3A_348 = arith.constant 0 : i32
      %dma_start3A_349 = tpu.memref_slice %arg4[%squeeze3A_343, %dma_start3A_348] : memref<1000000x64xf32, #tpu.memory_space<hbm>> -> memref<1x64xf32, #tpu.memory_space<hbm>>
      %dma_start3A_350 = arith.constant 0 : i32
      %dma_start3A_351 = tpu.memref_slice %arg10[%add3A_345, %dma_start3A_350] : memref<256x64xf32, #tpu.memory_space<vmem>> -> memref<1x64xf32, #tpu.memory_space<vmem>>
      %dma_start3A_352 = arith.constant 0 : i32
      %dma_start3A_353 = tpu.memref_slice %arg4[%squeeze3A_343, %dma_start3A_352] : memref<1000000x64xf32, #tpu.memory_space<hbm>> -> memref<1x64xf32, #tpu.memory_space<hbm>>
      tpu.enqueue_dma source(%dma_start3A_353 : memref<1x64xf32, #tpu.memory_space<hbm>>) target(%dma_start3A_351 : memref<1x64xf32, #tpu.memory_space<vmem>>) target_semaphore(%arg12 : memref<!tpu.dma_semaphore, #tpu.memory_space<semaphore_mem>>)
      %slice3A_354 = vector.extract_strided_slice %get3A_56 {offsets = [12], sizes = [1], strides = [1]} : vector<16xi32> to vector<1xi32>
      %squeeze3A_355 = vector.extract %slice3A_354[0] : i32 from vector<1xi32>
      %add3A_356 = arith.constant 12 : i32
      %add3A_357 = arith.addi %mul3A_51, %add3A_356 : i32
      %dma_start3A_358 = arith.constant 0 : i32
      %dma_start3A_359 = tpu.memref_slice %arg11[%add3A_357, %dma_start3A_358] : memref<256x64xf32, #tpu.memory_space<vmem>> -> memref<1x64xf32, #tpu.memory_space<vmem>>
      %dma_start3A_360 = arith.constant 0 : i32
      %dma_start3A_361 = tpu.memref_slice %arg5[%squeeze3A_355, %dma_start3A_360] : memref<1000000x64xf32, #tpu.memory_space<hbm>> -> memref<1x64xf32, #tpu.memory_space<hbm>>
      %dma_start3A_362 = arith.constant 0 : i32
      %dma_start3A_363 = tpu.memref_slice %arg11[%add3A_357, %dma_start3A_362] : memref<256x64xf32, #tpu.memory_space<vmem>> -> memref<1x64xf32, #tpu.memory_space<vmem>>
      %dma_start3A_364 = arith.constant 0 : i32
      %dma_start3A_365 = tpu.memref_slice %arg5[%squeeze3A_355, %dma_start3A_364] : memref<1000000x64xf32, #tpu.memory_space<hbm>> -> memref<1x64xf32, #tpu.memory_space<hbm>>
      tpu.enqueue_dma source(%dma_start3A_365 : memref<1x64xf32, #tpu.memory_space<hbm>>) target(%dma_start3A_363 : memref<1x64xf32, #tpu.memory_space<vmem>>) target_semaphore(%arg13 : memref<!tpu.dma_semaphore, #tpu.memory_space<semaphore_mem>>)
      %slice3A_366 = vector.extract_strided_slice %get3A_53 {offsets = [13], sizes = [1], strides = [1]} : vector<16xi32> to vector<1xi32>
      %squeeze3A_367 = vector.extract %slice3A_366[0] : i32 from vector<1xi32>
      %add3A_368 = arith.constant 13 : i32
      %add3A_369 = arith.addi %mul3A_51, %add3A_368 : i32
      %dma_start3A_370 = arith.constant 0 : i32
      %dma_start3A_371 = tpu.memref_slice %arg10[%add3A_369, %dma_start3A_370] : memref<256x64xf32, #tpu.memory_space<vmem>> -> memref<1x64xf32, #tpu.memory_space<vmem>>
      %dma_start3A_372 = arith.constant 0 : i32
      %dma_start3A_373 = tpu.memref_slice %arg4[%squeeze3A_367, %dma_start3A_372] : memref<1000000x64xf32, #tpu.memory_space<hbm>> -> memref<1x64xf32, #tpu.memory_space<hbm>>
      %dma_start3A_374 = arith.constant 0 : i32
      %dma_start3A_375 = tpu.memref_slice %arg10[%add3A_369, %dma_start3A_374] : memref<256x64xf32, #tpu.memory_space<vmem>> -> memref<1x64xf32, #tpu.memory_space<vmem>>
      %dma_start3A_376 = arith.constant 0 : i32
      %dma_start3A_377 = tpu.memref_slice %arg4[%squeeze3A_367, %dma_start3A_376] : memref<1000000x64xf32, #tpu.memory_space<hbm>> -> memref<1x64xf32, #tpu.memory_space<hbm>>
      tpu.enqueue_dma source(%dma_start3A_377 : memref<1x64xf32, #tpu.memory_space<hbm>>) target(%dma_start3A_375 : memref<1x64xf32, #tpu.memory_space<vmem>>) target_semaphore(%arg12 : memref<!tpu.dma_semaphore, #tpu.memory_space<semaphore_mem>>)
      %slice3A_378 = vector.extract_strided_slice %get3A_56 {offsets = [13], sizes = [1], strides = [1]} : vector<16xi32> to vector<1xi32>
      %squeeze3A_379 = vector.extract %slice3A_378[0] : i32 from vector<1xi32>
      %add3A_380 = arith.constant 13 : i32
      %add3A_381 = arith.addi %mul3A_51, %add3A_380 : i32
      %dma_start3A_382 = arith.constant 0 : i32
      %dma_start3A_383 = tpu.memref_slice %arg11[%add3A_381, %dma_start3A_382] : memref<256x64xf32, #tpu.memory_space<vmem>> -> memref<1x64xf32, #tpu.memory_space<vmem>>
      %dma_start3A_384 = arith.constant 0 : i32
      %dma_start3A_385 = tpu.memref_slice %arg5[%squeeze3A_379, %dma_start3A_384] : memref<1000000x64xf32, #tpu.memory_space<hbm>> -> memref<1x64xf32, #tpu.memory_space<hbm>>
      %dma_start3A_386 = arith.constant 0 : i32
      %dma_start3A_387 = tpu.memref_slice %arg11[%add3A_381, %dma_start3A_386] : memref<256x64xf32, #tpu.memory_space<vmem>> -> memref<1x64xf32, #tpu.memory_space<vmem>>
      %dma_start3A_388 = arith.constant 0 : i32
      %dma_start3A_389 = tpu.memref_slice %arg5[%squeeze3A_379, %dma_start3A_388] : memref<1000000x64xf32, #tpu.memory_space<hbm>> -> memref<1x64xf32, #tpu.memory_space<hbm>>
      tpu.enqueue_dma source(%dma_start3A_389 : memref<1x64xf32, #tpu.memory_space<hbm>>) target(%dma_start3A_387 : memref<1x64xf32, #tpu.memory_space<vmem>>) target_semaphore(%arg13 : memref<!tpu.dma_semaphore, #tpu.memory_space<semaphore_mem>>)
      %slice3A_390 = vector.extract_strided_slice %get3A_53 {offsets = [14], sizes = [1], strides = [1]} : vector<16xi32> to vector<1xi32>
      %squeeze3A_391 = vector.extract %slice3A_390[0] : i32 from vector<1xi32>
      %add3A_392 = arith.constant 14 : i32
      %add3A_393 = arith.addi %mul3A_51, %add3A_392 : i32
      %dma_start3A_394 = arith.constant 0 : i32
      %dma_start3A_395 = tpu.memref_slice %arg10[%add3A_393, %dma_start3A_394] : memref<256x64xf32, #tpu.memory_space<vmem>> -> memref<1x64xf32, #tpu.memory_space<vmem>>
      %dma_start3A_396 = arith.constant 0 : i32
      %dma_start3A_397 = tpu.memref_slice %arg4[%squeeze3A_391, %dma_start3A_396] : memref<1000000x64xf32, #tpu.memory_space<hbm>> -> memref<1x64xf32, #tpu.memory_space<hbm>>
      %dma_start3A_398 = arith.constant 0 : i32
      %dma_start3A_399 = tpu.memref_slice %arg10[%add3A_393, %dma_start3A_398] : memref<256x64xf32, #tpu.memory_space<vmem>> -> memref<1x64xf32, #tpu.memory_space<vmem>>
      %dma_start3A_400 = arith.constant 0 : i32
      %dma_start3A_401 = tpu.memref_slice %arg4[%squeeze3A_391, %dma_start3A_400] : memref<1000000x64xf32, #tpu.memory_space<hbm>> -> memref<1x64xf32, #tpu.memory_space<hbm>>
      tpu.enqueue_dma source(%dma_start3A_401 : memref<1x64xf32, #tpu.memory_space<hbm>>) target(%dma_start3A_399 : memref<1x64xf32, #tpu.memory_space<vmem>>) target_semaphore(%arg12 : memref<!tpu.dma_semaphore, #tpu.memory_space<semaphore_mem>>)
      %slice3A_402 = vector.extract_strided_slice %get3A_56 {offsets = [14], sizes = [1], strides = [1]} : vector<16xi32> to vector<1xi32>
      %squeeze3A_403 = vector.extract %slice3A_402[0] : i32 from vector<1xi32>
      %add3A_404 = arith.constant 14 : i32
      %add3A_405 = arith.addi %mul3A_51, %add3A_404 : i32
      %dma_start3A_406 = arith.constant 0 : i32
      %dma_start3A_407 = tpu.memref_slice %arg11[%add3A_405, %dma_start3A_406] : memref<256x64xf32, #tpu.memory_space<vmem>> -> memref<1x64xf32, #tpu.memory_space<vmem>>
      %dma_start3A_408 = arith.constant 0 : i32
      %dma_start3A_409 = tpu.memref_slice %arg5[%squeeze3A_403, %dma_start3A_408] : memref<1000000x64xf32, #tpu.memory_space<hbm>> -> memref<1x64xf32, #tpu.memory_space<hbm>>
      %dma_start3A_410 = arith.constant 0 : i32
      %dma_start3A_411 = tpu.memref_slice %arg11[%add3A_405, %dma_start3A_410] : memref<256x64xf32, #tpu.memory_space<vmem>> -> memref<1x64xf32, #tpu.memory_space<vmem>>
      %dma_start3A_412 = arith.constant 0 : i32
      %dma_start3A_413 = tpu.memref_slice %arg5[%squeeze3A_403, %dma_start3A_412] : memref<1000000x64xf32, #tpu.memory_space<hbm>> -> memref<1x64xf32, #tpu.memory_space<hbm>>
      tpu.enqueue_dma source(%dma_start3A_413 : memref<1x64xf32, #tpu.memory_space<hbm>>) target(%dma_start3A_411 : memref<1x64xf32, #tpu.memory_space<vmem>>) target_semaphore(%arg13 : memref<!tpu.dma_semaphore, #tpu.memory_space<semaphore_mem>>)
      %slice3A_414 = vector.extract_strided_slice %get3A_53 {offsets = [15], sizes = [1], strides = [1]} : vector<16xi32> to vector<1xi32>
      %squeeze3A_415 = vector.extract %slice3A_414[0] : i32 from vector<1xi32>
      %add3A_416 = arith.constant 15 : i32
      %add3A_417 = arith.addi %mul3A_51, %add3A_416 : i32
      %dma_start3A_418 = arith.constant 0 : i32
      %dma_start3A_419 = tpu.memref_slice %arg10[%add3A_417, %dma_start3A_418] : memref<256x64xf32, #tpu.memory_space<vmem>> -> memref<1x64xf32, #tpu.memory_space<vmem>>
      %dma_start3A_420 = arith.constant 0 : i32
      %dma_start3A_421 = tpu.memref_slice %arg4[%squeeze3A_415, %dma_start3A_420] : memref<1000000x64xf32, #tpu.memory_space<hbm>> -> memref<1x64xf32, #tpu.memory_space<hbm>>
      %dma_start3A_422 = arith.constant 0 : i32
      %dma_start3A_423 = tpu.memref_slice %arg10[%add3A_417, %dma_start3A_422] : memref<256x64xf32, #tpu.memory_space<vmem>> -> memref<1x64xf32, #tpu.memory_space<vmem>>
      %dma_start3A_424 = arith.constant 0 : i32
      %dma_start3A_425 = tpu.memref_slice %arg4[%squeeze3A_415, %dma_start3A_424] : memref<1000000x64xf32, #tpu.memory_space<hbm>> -> memref<1x64xf32, #tpu.memory_space<hbm>>
      tpu.enqueue_dma source(%dma_start3A_425 : memref<1x64xf32, #tpu.memory_space<hbm>>) target(%dma_start3A_423 : memref<1x64xf32, #tpu.memory_space<vmem>>) target_semaphore(%arg12 : memref<!tpu.dma_semaphore, #tpu.memory_space<semaphore_mem>>)
      %slice3A_426 = vector.extract_strided_slice %get3A_56 {offsets = [15], sizes = [1], strides = [1]} : vector<16xi32> to vector<1xi32>
      %squeeze3A_427 = vector.extract %slice3A_426[0] : i32 from vector<1xi32>
      %add3A_428 = arith.constant 15 : i32
      %add3A_429 = arith.addi %mul3A_51, %add3A_428 : i32
      %dma_start3A_430 = arith.constant 0 : i32
      %dma_start3A_431 = tpu.memref_slice %arg11[%add3A_429, %dma_start3A_430] : memref<256x64xf32, #tpu.memory_space<vmem>> -> memref<1x64xf32, #tpu.memory_space<vmem>>
      %dma_start3A_432 = arith.constant 0 : i32
      %dma_start3A_433 = tpu.memref_slice %arg5[%squeeze3A_427, %dma_start3A_432] : memref<1000000x64xf32, #tpu.memory_space<hbm>> -> memref<1x64xf32, #tpu.memory_space<hbm>>
      %dma_start3A_434 = arith.constant 0 : i32
      %dma_start3A_435 = tpu.memref_slice %arg11[%add3A_429, %dma_start3A_434] : memref<256x64xf32, #tpu.memory_space<vmem>> -> memref<1x64xf32, #tpu.memory_space<vmem>>
      %dma_start3A_436 = arith.constant 0 : i32
      %dma_start3A_437 = tpu.memref_slice %arg5[%squeeze3A_427, %dma_start3A_436] : memref<1000000x64xf32, #tpu.memory_space<hbm>> -> memref<1x64xf32, #tpu.memory_space<hbm>>
      tpu.enqueue_dma source(%dma_start3A_437 : memref<1x64xf32, #tpu.memory_space<hbm>>) target(%dma_start3A_435 : memref<1x64xf32, #tpu.memory_space<vmem>>) target_semaphore(%arg13 : memref<!tpu.dma_semaphore, #tpu.memory_space<semaphore_mem>>)
    }
    %scan3A_28 = arith.constant 16 : i32
    %dma_wait3A_29 = arith.constant 0 : i32
    %dma_wait3A_30 = arith.constant 0 : i32
    %dma_wait3A_31 = tpu.memref_slice %arg4[%dma_wait3A_29, %dma_wait3A_30] : memref<1000000x64xf32, #tpu.memory_space<hbm>> -> memref<256x64xf32, #tpu.memory_space<hbm>>
    %dma_wait3A_32 = arith.constant 0 : i32
    %dma_wait3A_33 = arith.constant 0 : i32
    %dma_wait3A_34 = tpu.memref_slice %arg4[%dma_wait3A_32, %dma_wait3A_33] : memref<1000000x64xf32, #tpu.memory_space<hbm>> -> memref<256x64xf32, #tpu.memory_space<hbm>>
    tpu.wait_dma2 semaphore(%arg12 : memref<!tpu.dma_semaphore, #tpu.memory_space<semaphore_mem>>) src(%dma_wait3A_34 : memref<256x64xf32, #tpu.memory_space<hbm>>) dst(%arg10 : memref<256x64xf32, #tpu.memory_space<vmem>>)
    %dma_wait3A_35 = arith.constant 0 : i32
    %dma_wait3A_36 = arith.constant 0 : i32
    %dma_wait3A_37 = tpu.memref_slice %arg5[%dma_wait3A_35, %dma_wait3A_36] : memref<1000000x64xf32, #tpu.memory_space<hbm>> -> memref<256x64xf32, #tpu.memory_space<hbm>>
    %dma_wait3A_38 = arith.constant 0 : i32
    %dma_wait3A_39 = arith.constant 0 : i32
    %dma_wait3A_40 = tpu.memref_slice %arg5[%dma_wait3A_38, %dma_wait3A_39] : memref<1000000x64xf32, #tpu.memory_space<hbm>> -> memref<256x64xf32, #tpu.memory_space<hbm>>
    tpu.wait_dma2 semaphore(%arg13 : memref<!tpu.dma_semaphore, #tpu.memory_space<semaphore_mem>>) src(%dma_wait3A_40 : memref<256x64xf32, #tpu.memory_space<hbm>>) dst(%arg11 : memref<256x64xf32, #tpu.memory_space<vmem>>)
    %add3A_41 = arith.constant 256 : i32
    %add3A_42 = arith.addi %mul3A_2, %add3A_41 : i32
    "tpu.region"() ({
      %run_scoped3A = tpu.sem_alloc : memref<!tpu.dma_semaphore, #tpu.memory_space<semaphore_mem>>
      %dma_start3A = arith.constant 0 : i32
      %dma_start3A_45 = tpu.memref_slice %arg6[%add3A_42, %dma_start3A] : memref<16384x64xf32, #tpu.memory_space<hbm>> -> memref<256x64xf32, #tpu.memory_space<hbm>>
      %dma_start3A_46 = arith.constant 0 : i32
      %dma_start3A_47 = tpu.memref_slice %arg6[%add3A_42, %dma_start3A_46] : memref<16384x64xf32, #tpu.memory_space<hbm>> -> memref<256x64xf32, #tpu.memory_space<hbm>>
      tpu.enqueue_dma source(%arg10 : memref<256x64xf32, #tpu.memory_space<vmem>>) target(%dma_start3A_47 : memref<256x64xf32, #tpu.memory_space<hbm>>) target_semaphore(%run_scoped3A : memref<!tpu.dma_semaphore, #tpu.memory_space<semaphore_mem>>)
      %dma_wait3A_48 = arith.constant 0 : i32
      %dma_wait3A_49 = tpu.memref_slice %arg6[%add3A_42, %dma_wait3A_48] : memref<16384x64xf32, #tpu.memory_space<hbm>> -> memref<256x64xf32, #tpu.memory_space<hbm>>
      %dma_wait3A_50 = arith.constant 0 : i32
      %dma_wait3A_51 = tpu.memref_slice %arg6[%add3A_42, %dma_wait3A_50] : memref<16384x64xf32, #tpu.memory_space<hbm>> -> memref<256x64xf32, #tpu.memory_space<hbm>>
      tpu.wait_dma2 semaphore(%run_scoped3A : memref<!tpu.dma_semaphore, #tpu.memory_space<semaphore_mem>>) src(%arg10 : memref<256x64xf32, #tpu.memory_space<vmem>>) dst(%dma_wait3A_51 : memref<256x64xf32, #tpu.memory_space<hbm>>)
      tpu.yield
    }) : () -> ()
    %add3A_43 = arith.constant 256 : i32
    %add3A_44 = arith.addi %mul3A_2, %add3A_43 : i32
    "tpu.region"() ({
      %run_scoped3A = tpu.sem_alloc : memref<!tpu.dma_semaphore, #tpu.memory_space<semaphore_mem>>
      %dma_start3A = arith.constant 0 : i32
      %dma_start3A_45 = tpu.memref_slice %arg7[%add3A_44, %dma_start3A] : memref<16384x64xf32, #tpu.memory_space<hbm>> -> memref<256x64xf32, #tpu.memory_space<hbm>>
      %dma_start3A_46 = arith.constant 0 : i32
      %dma_start3A_47 = tpu.memref_slice %arg7[%add3A_44, %dma_start3A_46] : memref<16384x64xf32, #tpu.memory_space<hbm>> -> memref<256x64xf32, #tpu.memory_space<hbm>>
      tpu.enqueue_dma source(%arg11 : memref<256x64xf32, #tpu.memory_space<vmem>>) target(%dma_start3A_47 : memref<256x64xf32, #tpu.memory_space<hbm>>) target_semaphore(%run_scoped3A : memref<!tpu.dma_semaphore, #tpu.memory_space<semaphore_mem>>)
      %dma_wait3A_48 = arith.constant 0 : i32
      %dma_wait3A_49 = tpu.memref_slice %arg7[%add3A_44, %dma_wait3A_48] : memref<16384x64xf32, #tpu.memory_space<hbm>> -> memref<256x64xf32, #tpu.memory_space<hbm>>
      %dma_wait3A_50 = arith.constant 0 : i32
      %dma_wait3A_51 = tpu.memref_slice %arg7[%add3A_44, %dma_wait3A_50] : memref<16384x64xf32, #tpu.memory_space<hbm>> -> memref<256x64xf32, #tpu.memory_space<hbm>>
      tpu.wait_dma2 semaphore(%run_scoped3A : memref<!tpu.dma_semaphore, #tpu.memory_space<semaphore_mem>>) src(%arg11 : memref<256x64xf32, #tpu.memory_space<vmem>>) dst(%dma_wait3A_51 : memref<256x64xf32, #tpu.memory_space<hbm>>)
      tpu.yield
    }) : () -> ()
    return
  }
}

module attributes {stable_mosaic.version = 14 : i64} {
  func.func @_mlp_body(%arg0: i32, %arg1: memref<4096x64xf32, #tpu.memory_space<vmem>>, %arg2: memref<4096x64xf32, #tpu.memory_space<vmem>>, %arg3: memref<128x64xf32, #tpu.memory_space<vmem>>, %arg4: memref<1x64xf32, #tpu.memory_space<vmem>>, %arg5: memref<1x64xf32, #tpu.memory_space<vmem>>, %arg6: memref<1x1xf32, #tpu.memory_space<vmem>>, %arg7: memref<4096x1xf32, #tpu.memory_space<vmem>>) attributes {dimension_semantics = [#tpu.dimension_semantics<arbitrary>], iteration_bounds = array<i64: 4>, scalar_prefetch = 0 : i64, scratch_operands = 0 : i64, tpu.core_type = #tpu.core_type<tc>, window_params = [{transform_indices = @transform_0, window_bounds = array<i64: 4096, 64>}, {transform_indices = @transform_1, window_bounds = array<i64: 4096, 64>}, {pipeline_mode = #tpu.pipeline_mode<synchronous>, transform_indices = @transform_2, window_bounds = array<i64: 128, 64>}, {pipeline_mode = #tpu.pipeline_mode<synchronous>, transform_indices = @transform_3, window_bounds = array<i64: 1, 64>}, {pipeline_mode = #tpu.pipeline_mode<synchronous>, transform_indices = @transform_4, window_bounds = array<i64: 1, 64>}, {pipeline_mode = #tpu.pipeline_mode<synchronous>, transform_indices = @transform_5, window_bounds = array<i64: 1, 1>}, {transform_indices = @transform_6, window_bounds = array<i64: 4096, 1>}]} {
    %get3A = arith.constant 0 : index
    %get3A_0 = arith.constant 0 : index
    %get3A_1 = vector.load %arg3[%get3A, %get3A_0] : memref<128x64xf32, #tpu.memory_space<vmem>>, vector<128x64xf32>
    %get3A_2 = arith.constant 0 : index
    %get3A_3 = arith.constant 0 : index
    %get3A_4 = vector.load %arg1[%get3A_2, %get3A_3] : memref<4096x64xf32, #tpu.memory_space<vmem>>, vector<4096x64xf32>
    %slice3A = vector.extract_strided_slice %get3A_1 {offsets = [0, 0], sizes = [64, 64], strides = [1, 1]} : vector<128x64xf32> to vector<64x64xf32>
    %dot_general3A = arith.constant dense<0.000000e+00> : vector<4096x64xf32>
    %dot_general3A_5 = tpu.matmul %get3A_4, %slice3A, %dot_general3A {dimension_numbers = #tpu.dot_dimension_numbers<[1], [0], [0], [1], [0, 0, 1, 1], [], []>, transpose_lhs_hint = false} : vector<4096x64xf32>, vector<64x64xf32>, vector<4096x64xf32> -> vector<4096x64xf32>
    %get3A_6 = arith.constant 0 : index
    %get3A_7 = arith.constant 0 : index
    %get3A_8 = vector.load %arg2[%get3A_6, %get3A_7] : memref<4096x64xf32, #tpu.memory_space<vmem>>, vector<4096x64xf32>
    %slice3A_9 = vector.extract_strided_slice %get3A_1 {offsets = [64, 0], sizes = [64, 64], strides = [1, 1]} : vector<128x64xf32> to vector<64x64xf32>
    %dot_general3A_10 = arith.constant dense<0.000000e+00> : vector<4096x64xf32>
    %dot_general3A_11 = tpu.matmul %get3A_8, %slice3A_9, %dot_general3A_10 {dimension_numbers = #tpu.dot_dimension_numbers<[1], [0], [0], [1], [0, 0, 1, 1], [], []>, transpose_lhs_hint = false} : vector<4096x64xf32>, vector<64x64xf32>, vector<4096x64xf32> -> vector<4096x64xf32>
    %add3A = arith.addf %dot_general3A_5, %dot_general3A_11 : vector<4096x64xf32>
    %get3A_12 = arith.constant 0 : index
    %get3A_13 = arith.constant 0 : index
    %get3A_14 = vector.load %arg4[%get3A_12, %get3A_13] : memref<1x64xf32, #tpu.memory_space<vmem>>, vector<1x64xf32>
    %add3A_15 = vector.broadcast %get3A_14 : vector<1x64xf32> to vector<4096x64xf32>
    %add3A_16 = arith.addf %add3A, %add3A_15 : vector<4096x64xf32>
    %max3A = arith.constant 0.000000e+00 : f32
    %max3A_17 = vector.broadcast %max3A : f32 to vector<4096x64xf32>
    %max3A_18 = arith.maximumf %add3A_16, %max3A_17 : vector<4096x64xf32>
    %get3A_19 = arith.constant 0 : index
    %get3A_20 = arith.constant 0 : index
    %get3A_21 = vector.load %arg5[%get3A_19, %get3A_20] : memref<1x64xf32, #tpu.memory_space<vmem>>, vector<1x64xf32>
    %mul3A = vector.broadcast %get3A_21 : vector<1x64xf32> to vector<4096x64xf32>
    %mul3A_22 = arith.mulf %max3A_18, %mul3A : vector<4096x64xf32>
    %reduce_sum3A = arith.constant dense<0.000000e+00> : vector<4096xf32>
    %reduce_sum3A_23 = vector.multi_reduction <add>, %mul3A_22, %reduce_sum3A [1] : vector<4096x64xf32> to vector<4096xf32>
    %broadcast_in_dim3A = vector.shape_cast %reduce_sum3A_23 : vector<4096xf32> to vector<4096x1xf32>
    %get3A_24 = arith.constant 0 : index
    %get3A_25 = arith.constant 0 : index
    %get3A_26 = vector.load %arg6[%get3A_24, %get3A_25] : memref<1x1xf32, #tpu.memory_space<vmem>>, vector<1x1xf32>
    %add3A_27 = vector.broadcast %get3A_26 : vector<1x1xf32> to vector<4096x1xf32>
    %add3A_28 = arith.addf %broadcast_in_dim3A, %add3A_27 : vector<4096x1xf32>
    %swap3A = arith.constant 0 : index
    %swap3A_29 = arith.constant 0 : index
    %swap3A_30 = vector.load %arg7[%swap3A, %swap3A_29] : memref<4096x1xf32, #tpu.memory_space<vmem>>, vector<4096x1xf32>
    tpu.vector_store %arg7[%swap3A, %swap3A_29], %add3A_28 {strides = array<i32>} : memref<4096x1xf32, #tpu.memory_space<vmem>>, vector<4096x1xf32>,
    return
  }
  func.func @transform_0(%arg0: i32) -> (i32, i32) {
    %c0_i32 = arith.constant 0 : i32
    %c0_i32_0 = arith.constant 0 : i32
    return %arg0, %c0_i32 : i32, i32
  }
  func.func @transform_1(%arg0: i32) -> (i32, i32) {
    %c0_i32 = arith.constant 0 : i32
    %c0_i32_0 = arith.constant 0 : i32
    return %arg0, %c0_i32 : i32, i32
  }
  func.func @transform_2(%arg0: i32) -> (i32, i32) {
    %c0_i32 = arith.constant 0 : i32
    %c0_i32_0 = arith.constant 0 : i32
    %c0_i32_1 = arith.constant 0 : i32
    return %c0_i32, %c0_i32_0 : i32, i32
  }
  func.func @transform_3(%arg0: i32) -> (i32, i32) {
    %c0_i32 = arith.constant 0 : i32
    %c0_i32_0 = arith.constant 0 : i32
    %c0_i32_1 = arith.constant 0 : i32
    return %c0_i32, %c0_i32_0 : i32, i32
  }
  func.func @transform_4(%arg0: i32) -> (i32, i32) {
    %c0_i32 = arith.constant 0 : i32
    %c0_i32_0 = arith.constant 0 : i32
    %c0_i32_1 = arith.constant 0 : i32
    return %c0_i32, %c0_i32_0 : i32, i32
  }
  func.func @transform_5(%arg0: i32) -> (i32, i32) {
    %c0_i32 = arith.constant 0 : i32
    %c0_i32_0 = arith.constant 0 : i32
    %c0_i32_1 = arith.constant 0 : i32
    return %c0_i32, %c0_i32_0 : i32, i32
  }
  func.func @transform_6(%arg0: i32) -> (i32, i32) {
    %c0_i32 = arith.constant 0 : i32
    %c0_i32_0 = arith.constant 0 : i32
    return %arg0, %c0_i32 : i32, i32
  }
}

</mosaic_0001>

<sc_bundles>
// kernel: kernel.4.cloned.1.call-start
scs
__scs_entry_jumppad:
0x0: {  	(pc) =	sbr.rel $0x88, $3  }
0x1: {  	(tag) =	ssettag $0x0;
	lr =	simm.s32 $0x1  }
0x2: {  	[smem:$0x3F99] =	sst lr;
	_ =	strace $0xD0000000  }
0x3: {  	_ = 	snop  }
0x4: {  	_ = 	snop  }
0x5: {  	_ = 	snop  }
0x6: {  	_ = 	snop  }
0x7: {  	_ = 	snop  }
__scs_overlays_trampoline_lowered:
0x8: {  	[smem:$0x3FA8] =	sst s0  }
0x9: {  	[smem:$0x3FA9] =	sst s1  }
0xa: {  	[smem:$0x3FAA] =	sst s2  }
0xb: {  	[smem:$0x3FAB] =	sst s3  }
0xc: {  	[smem:$0x3FAC] =	sst s4  }
0xd: {  	[smem:$0x3FAD] =	sst s5  }
0xe: {  	[smem:$0x3FAE] =	sst s6  }
0xf: {  	[smem:$0x3FAF] =	sst s7  }
0x10: {  	[smem:$0x3FB0] =	sst s8  }
0x11: {  	[smem:$0x3FB1] =	sst s9;
	s0 =	simm.s32 @!p0 $0x0  }
0x12: {  	s1 =	sld [smem:$0x3F97];
	s0 =	simm.s32 @p0 $0x1  }
0x13: {  	[smem:$0x3FB2] =	sst s0;
	s0 =	simm.s32 @!p1 $0x0  }
0x14: {  	s2 =	sld [smem:$0x3F96];
	s0 =	simm.s32 @p1 $0x1  }
0x15: {  	[smem:$0x3FB3] =	sst s0;
	s0 =	simm.s32 @!p2 $0x0  }
0x16: {  	s3 =	sld [smem:$0x3FDB];
	s0 =	simm.s32 @p2 $0x1  }
0x17: {  	s4 =	simm.s32 $0x1BF5;
	[smem:$0x3FB5] =	sst s0  }
0x18: {  	s0 =	sld [smem:$0x3F98];
	_ =	swait.ge [sflag:s4], $0x0  }
0x19: {  	s7 =	sld [smem:$0x3F99]  }
0x1a: {  	s8 =	sadd.s32 $0xFFFFE003, lr  }
0x1b: {  	s9 =	sadd.s32 $0xFFFFFEF7, lr;
	s5 =	simm.s32 $0xFFFFFFFF;
	p2 =	slt.u32 s8, $0xFFFFF086  }
0x1c: {  	p1 =	slt.u32 s9, $0xF7A;
	s5 =	simm.s32 @!p2 $0x0  }
0x1d: {  	s5 =	simm.s32 @p1 $0x1;
	p0 =	seq.s32 s7, s2  }
0x1e: {  	s7 =	smul.u32 @!p0 $0xF7A, s2;
	p2 =	seq.s32 @!p0 s5, $0x0  }
0x1f: {  	s9 =	smul.u32 $0xF7A, s1;
	s8 =	simm.s32 @!p0 $0x1BF5;
	p2 =	por !p2, p0  }
0x20: {  	[sflag:s8] =	ssyncset.s32 @!p0 $0xFFFFF086;
	s6 =	sadd.s32 @!p0 s3, s7;
	s7 =	simm.s32 @!p0 $0x108  }
0x21: {  	s3 =	sadd.s32 s3, s9;
	s6 =	sadd.s32 @!p0 $0x88, s6;
	s7 =	simm.s32 @p2 $0x1082  }
0x22: {  	[simem:s7], [sflag:s8] =	dma.local @!p0 [hbm:s6], $0xF7A  }
0x23: {  	s9 =	sor.u32 $0xD0000000, s2;
	s6 =	simm.s32 $0x108;
	_ =	swait.ge @!p0 [sflag:s8], $0x0  }
0x24: {  	s3 =	sadd.s32 $0x88, s3;
	s6 =	simm.s32 @!p1 $0x1082;
	[sflag:s4] =	ssyncset.s32 $0xFFFFF086  }
0x25: {  	[simem:s6], [sflag:s4] =	dma.local [hbm:s3], $0xF7A  }
0x26: {  	[smem:$0x3F99] =	sst s1;
	(tag) =	ssettag s2;
	_ =	strace s9  }
0x27: {  	s1 =	sld [smem:$0x3FA9]  }
0x28: {  	s2 =	sld [smem:$0x3FAA]  }
0x29: {  	s4 =	sld [smem:$0x3FAC]  }
0x2a: {  	p0 =	seq.s32 s5, $0x0;
	s5 =	sld [smem:$0x3FAD]  }
0x2b: {  	s6 =	sld [smem:$0x3FAE]  }
0x2c: {  	s7 =	sld [smem:$0x3FAF]  }
0x2d: {  	s3 =	simm.s32 $0x108;
	s8 =	sld [smem:$0x3FB0]  }
0x2e: {  	s3 =	simm.s32 @!p0 $0x1082;
	s9 =	sld [smem:$0x3FB1]  }
0x2f: {  	lr =	sadd.s32 s0, s3;
	s0 =	sld [smem:$0x3FA8]  }
0x30: {  	s3 =	sld [smem:$0x3FAB]  }
0x31: {  	[smem:$0x3FB4] =	sst s10  }
0x32: {  	s10 =	sld [smem:$0x3FB2];
	_ =	sdelay $0x3  }
0x33: {  	p0 =	seq.s32 s10, $0x1;
	s10 =	sld [smem:$0x3FB4];
	_ =	sdelay $0x3  }
0x34: {  	[smem:$0x3FB4] =	sst s10  }
0x35: {  	s10 =	sld [smem:$0x3FB3];
	_ =	sdelay $0x3  }
0x36: {  	p1 =	seq.s32 s10, $0x1;
	s10 =	sld [smem:$0x3FB4];
	_ =	sdelay $0x3  }
0x37: {  	[smem:$0x3FB4] =	sst s10  }
0x38: {  	s10 =	sld [smem:$0x3FB5]  }
0x39: {  	_ = 	snop;
	(pc) =	sbr.ind lr, $3  }
0x3a: {  	_ = 	snop  }
0x3b: {  	_ = 	snop  }
0x3c: {  	p2 =	seq.s32 s10, $0x1;
	s10 =	sld [smem:$0x3FB4]  }
0x3d: {  	_ =	shalt  }
0x3e: {  	_ =	shalt  }
0x3f: {  	_ =	shalt  }
0x40: {  	_ =	shalt  }
0x41: {  	_ =	shalt  }
0x42: {  	_ =	shalt  }
0x43: {  	_ =	shalt  }
0x44: {  	_ =	shalt  }
0x45: {  	_ =	shalt  }
0x46: {  	_ =	shalt  }
0x47: {  	_ =	shalt  }
0x48: {  	_ =	shalt  }
0x49: {  	_ =	shalt  }
0x4a: {  	_ =	shalt  }
0x4b: {  	_ =	shalt  }
0x4c: {  	_ =	shalt  }
0x4d: {  	_ =	shalt  }
0x4e: {  	_ =	shalt  }
0x4f: {  	_ =	shalt  }
0x50: {  	_ =	shalt  }
0x51: {  	_ =	shalt  }
0x52: {  	_ =	shalt  }
0x53: {  	_ =	shalt  }
0x54: {  	_ =	shalt  }
0x55: {  	_ =	shalt  }
0x56: {  	_ =	shalt  }
0x57: {  	_ =	shalt  }
0x58: {  	_ =	shalt  }
0x59: {  	_ =	shalt  }
0x5a: {  	_ =	shalt  }
0x5b: {  	_ =	shalt  }
0x5c: {  	_ =	shalt  }
0x5d: {  	_ =	shalt  }
0x5e: {  	_ =	shalt  }
0x5f: {  	_ =	shalt  }
0x60: {  	_ =	shalt  }
0x61: {  	_ =	shalt  }
0x62: {  	_ =	shalt  }
0x63: {  	_ =	shalt  }
0x64: {  	_ =	shalt  }
0x65: {  	_ =	shalt  }
0x66: {  	_ =	shalt  }
0x67: {  	_ =	shalt  }
0x68: {  	_ =	shalt  }
0x69: {  	_ =	shalt  }
0x6a: {  	_ =	shalt  }
0x6b: {  	_ =	shalt  }
0x6c: {  	_ =	shalt  }
0x6d: {  	_ =	shalt  }
0x6e: {  	_ =	shalt  }
0x6f: {  	_ =	shalt  }
0x70: {  	_ =	shalt  }
0x71: {  	_ =	shalt  }
0x72: {  	_ =	shalt  }
0x73: {  	_ =	shalt  }
0x74: {  	_ =	shalt  }
0x75: {  	_ =	shalt  }
0x76: {  	_ =	shalt  }
0x77: {  	_ =	shalt  }
0x78: {  	_ =	shalt  }
0x79: {  	_ =	shalt  }
0x7a: {  	_ =	shalt  }
0x7b: {  	_ =	shalt  }
0x7c: {  	_ =	shalt  }
0x7d: {  	_ =	shalt  }
0x7e: {  	_ =	shalt  }
0x7f: {  	_ =	shalt  }
0x80: {  	_ =	shalt  }
0x81: {  	_ =	shalt  }
0x82: {  	_ =	shalt  }
0x83: {  	_ =	shalt  }
0x84: {  	_ =	shalt  }
0x85: {  	_ =	shalt  }
0x86: {  	_ =	shalt  }
0x87: {  	_ =	shalt  }
.Lfunc_end0:
.L_simem_size_0:
called_computation_lowered:
.L_overlay_start_0:
0x88: {  	s2 =	sld [smem:$0x3FD9]  }
0x89: {  	s3 =	sld [smem:$0x3FFE];
	_ =	sdelay $0x1  }
0x8a: {  	s1 =	srdreg.scid  }
0x8b: {  	s0 =	sand.u32 $0x1, s1  }
0x8c: {  	s17 =	sshll.u32 s0, $0xA;
	s2 =	sadd.s32 s3, s2  }
0x8d: {  	s2 =	sadd.s32 s2, s17  }
0x8e: {  	[smem:$0x3FC0] =	sst s2  }
0x8f: {  	_ = 	snop  }
0x90: {  	s2 =	sld [smem:$0x3FC9]  }
0x91: {  	s18 =	sld [smem:$0x3FC8];
	(tm) =	ssettm $0x1  }
0x92: {  	s4 =	sld [smem:$0x3FFB];
	_ =	sdelay $0x3  }
0x93: {  	_ =	strace s4  }
0x94: {  	s4 =	sld [smem:$0x3FFC];
	_ =	sdelay $0x3  }
0x95: {  	_ =	strace s4  }
0x96: {  	s4 =	sld [smem:$0x3FFD];
	_ =	sdelay $0x3  }
0x97: {  	_ =	strace s4  }
0x98: {  	_ =	strace $0x8FFFFFFF  }
0x99: {  	s19 =	sld [smem:$0x3FDB];
	_ =	sdelay $0x1  }
0x9a: {  	s5 =	simm.s32 $_scs_section_size  }
0x9b: {  	s6 =	simm.s32 $_size__tile_overlayer_lowered;
	s7 =	simm.s32 $_tile_overlayer_lowered  }
0x9c: {  	s22 =	simm.s32 $0x1BFF;
	s21 =	sshll.u32 s7, $0x1;
	s4 =	sadd.s32 s5, s19  }
0x9d: {  	s8 =	simm.s32 $0x0;
	s20 =	sshll.u32 s6, $0x1;
	s6 =	sadd.s32 s21, s4  }
0x9e: {  	[timem:s8], [sflag:s22] =	dma.local [hbm:s6], s20  }
0x9f: {  	_ =	swait.ge [sflag:s22], s20  }
0xa0: {  	s5 =	ssub.s32 $0x0, s20;
	[sflag:s22] =	ssyncset.done $0x0  }
0xa1: {  	[sflag:s22] =	ssyncadd.s32 s5;
	_ =	sdelay $0x1  }
0xa2: {  	s23 =	simm.s32 $0x1B8B  }
0xa3: {  	_ =	swait.ge [sflag:s23], $0x1  }
0xa4: {  	[sflag:s23] =	ssyncset.done $0x0  }
0xa5: {  	s25 =	simm.s32 $0x1B8E;
	s24 =	sld [smem:$0x3FFE];
	[sflag:s23] =	ssyncadd.s32 $0xFFFFFFFF  }
0xa6: {  	s26 =	simm.s32 $execute0_lowered;
	[smem:$0x3FD2] =	sst s25  }
0xa7: {  	s6 =	sshll.u32 s26, $0x1;
	_ =	strace $0x80000046;
	[dreg:$0x1] =	wrdreg $0xFFFFFFFF  }
0xa8: {  	s28 =	simm.s32 $_size_execute0_lowered;
	s4 =	sadd.s32 s4, s6;
	[dreg:$0x0] =	wrdreg $0x0  }
0xa9: {  	s6 =	sshll.u32 s28, $0x1;
	[dreg:$0x2] =	wrdreg s4  }
0xaa: {  	[dreg:$0x3] =	wrdreg s6  }
0xab: {  	[dreg:$0x4] =	wrdreg $0xC0  }
0xac: {  	_ =	task [dreg:s8], $0x5FFFF  }
0xad: {  	[dreg:$0x1] =	wrdreg $0xFFFFFFFF  }
0xae: {  	[dreg:$0x0] =	wrdreg $0x60  }
0xaf: {  	[dreg:$0x2] =	wrdreg s2  }
0xb0: {  	[dreg:$0x3] =	wrdreg s18  }
0xb1: {  	[dreg:$0x4] =	wrdreg s24  }
0xb2: {  	[dreg:$0x5] =	wrdreg $0x9  }
0xb3: {  	_ =	task.clear_ibuf [dreg:s8], $0x6FFFF;
	_ =	strace $0x90000046  }
0xb4: {  	s29 =	simm.s32 $0x9;
	_ =	strace $0x80000048  }
0xb5: {  	_ =	swait.ge [sflag:s29], $0x1  }
0xb6: {  	[sflag:s29] =	ssyncadd.s32 $0xFFFFFFFF  }
0xb7: {  	_ =	strace $0x90000048  }
0xb8: {  	_ =	sfence  }
0xb9: {  	s30 =	sld [smem:$0x0];
	_ =	sdelay $0x2  }
0xba: {  	s31 =	sshll.u32 s1, $0xD;
	s1 =	sshrl.u32 s1, $0x2  }
0xbb: {  	s3 =	sand.u32 $0x4000, s31;
	s1 =	sadd.s32 s1, s30  }
0xbc: {  	s0 =	sor.u32 s3, s0;
	s1 =	sshll.u32 s1, $0x11  }
0xbd: {  	s0 =	sor.u32 s1, s0  }
0xbe: {  	s0 =	sadd.s32 $0x8F2B, s0  }
0xbf: {  	[sflag:s0] =	ssyncadd.remote.s32 $0x1  }
0xc0: {  	_ =	sfence.sel $0xFFFF  }
0xc1: {  	[dreg:$0x0] =	wrdreg $0xFFFFFFFF;
	(pc) =	sbr.abs _section_cstart, $3  }
0xc2: {  	[dreg:$0x1] =	wrdreg $0xFFFFFFFF  }
0xc3: {  	_ =	task.clear_ibuf [dreg:s8], $0x2FFFF;
	_ =	strace $0x9FFFFFFF  }
0xc4: {  	(tm) =	ssettm $0x7FFFFFFF  }
0xc5: {  	_ =	shalt  }
tec
execute0_lowered:
.L_overlay_start_1:
0x0: {  	(tag) =	ssettag $0x1  }
0x1: {  	s0 =	rddreg [dreg:$0x0]  }
0x2: {  	s2 =	rddreg [dreg:$0x1]  }
0x3: {  	s5 =	rddreg [dreg:$0x2];
	s6 =	srdreg.scid  }
0x4: {  	s1 =	simm.s32 $0x0;
	s8 =	stileid.u32;
	s6 =	sand.u32 $0x1, s6  }
0x5: {  	s8 =	sshll.u32 s8, $0xA;
	s7 =	ssub.s32 $0x2, s6;
	s6 =	sshll.u32 s6, $0x9  }
0x6: {  	[smem:$0x7FF] =	sst s1;
	s3 =	sadd.s32 $0x1000, s5;
	s6 =	sor.u32 s6, s8  }
0x7: {  	s4 =	sadd.s32 $0xF43400, s5;
	s9 =	sadd.s32 $0x1E85800, s5;
	s8 =	sshrl.u32 s6, $0x3  }
0x8: {  	s5 =	sadd.s32 $0x1EC5800, s5;
	_ =	strace $0x80000047;
	s0 =	sadd.s32 s0, s8  }
0x9: {  	s26 =	sshll.u32 s6, $0x4;
	s25 =	sadd.s32 s2, s8;
	[dreg:$0x16] =	wrdreg s0  }
0xa: {  	s10 =	sshrl.u32 s7, $0x1;
	s28 =	sadd.s32 s9, s26;
	[dreg:$0x17] =	wrdreg s25  }
0xb: {  	s7 =	ssub.s32 s7, s10;
	s29 =	sadd.s32 s5, s26;
	[dreg:$0x18] =	wrdreg s28  }
0xc: {  	s31 =	smax.u32 s7, $0x1;
	[dreg:$0x19] =	wrdreg s29;
	s0 =	sor.u32 $0x1000, s26  }
0xd: {  	[dreg:$0x1c] =	wrdreg s31;
	s30 =	sadd.s32 s9, s0  }
0xe: {  	s0 =	sadd.s32 s5, s0;
	[dreg:$0x1a] =	wrdreg s30  }
0xf: {  	s2 =	simm.s32 $0x0;
	s5 =	simm.s32 $0x3;
	[dreg:$0x1b] =	wrdreg s0  }
.LBB2_1:
0x10: {  	[dreg:$0x1d] =	wrdreg s2  }
0x11: {  	s0 =	rddreg [dreg:$0x16]  }
0x12: {  	[tilespmem:s1], [sflag:$0x3] =	stream.linear.gather [hbm4b:s0+s1], $0x200, $0x38;
	[tilespmem:$0x10400] =	vst v63  }
0x13: {  	_ =	swait.ge [sflag:s5], $0x200  }
0x14: {  	[sflag:s5] =	ssyncset.done $0x0  }
0x15: {  	s12 =	simm.s32 $0x200;
	s13 =	rddreg [dreg:$0x17];
	[sflag:s5] =	ssyncadd.s32 $0xFFFFFE00  }
0x16: {  	[tilespmem:s12], [sflag:$0x3] =	stream.linear.gather [hbm4b:s13+s1], $0x200, $0x38;
	[tilespmem:$0x10400] =	vst v63  }
0x17: {  	_ =	swait.ge [sflag:s5], $0x200  }
0x18: {  	[sflag:s5] =	ssyncset.done $0x0  }
0x19: {  	[sflag:s5] =	ssyncadd.s32 $0xFFFFFE00  }
0x1a: {  	v0 =	vld [tilespmem:s1+$0x0]  }
0x1b: {  	v2 =	vld [tilespmem:s12+$0x0];
	_ =	sdelay $0x3  }
0x1c: {  	v1 =	vshll.u32 v0, $0x4  }
0x1d: {  	v63 =	vshll.u32 v2, $0x4;
	(v2sf) =	vpush v1, $0x0  }
0x1e: {  	(v2sf) =	vpush v63, $0x0;
	_ =	sdelay $0x2  }
0x1f: {  	(v2sf) =	vpush v1, $0x1  }
0x20: {  	(v2sf) =	vpush v63, $0x1;
	_ =	sdelay $0x1  }
0x21: {  	(v2sf) =	vpush v1, $0x2;
	_ =	sdelay $0x1  }
0x22: {  	(v2sf) =	vpush v63, $0x2;
	_ =	sdelay $0x1  }
0x23: {  	s19 =	simm.s32 $0x2000;
	(v2sf) =	vpush v1, $0x3  }
0x24: {  	s18 =	simm.s32 $0x0;
	s6 =	simm.s32 $0x8400;
	s2 =	simm.s32 $0x880  }
0x25: {  	s7 =	simm.s32 $0x400;
	s9 =	simm.s32 $0x600;
	s10 =	simm.s32 $0x580  }
0x26: {  	s16 =	simm.s32 $0x480;
	s21 =	simm.s32 $0x8480;
	s23 =	simm.s32 $0x500  }
0x27: {  	s26 =	simm.s32 $0x8500;
	s28 =	simm.s32 $0xA00;
	s8 =	spop (v2sf);
	(v2sf) =	vpush v63, $0x3  }
0x28: {  	s0 =	simm.s32 $0x8900;
	s8 =	sand.u32 $0x1FFFFFF0, s8;
	s11 =	spop (v2sf)  }
0x29: {  	s5 =	simm.s32 $0x680;
	(v2sf) =	vpush v1, $0x4;
	s8 =	sadd.s32 s3, s8;
	s14 =	sand.u32 $0x1FFFFFF0, s11  }
0x2a: {  	(v2sf) =	vpush v63, $0x4;
	[tilespmem:s7], [sflag:$0x1] =	stream.linear.gather [hbm4b:s8+s1], $0x80, $0x38;
	[tilespmem:$0x10400] =	vst v63  }
0x2b: {  	s15 =	spop (v2sf);
	s7 =	simm.s32 $0x8580;
	s8 =	sadd.s32 s4, s14  }
0x2c: {  	s11 =	sand.u32 $0x1FFFFFF0, s15;
	s12 =	spop (v2sf);
	s14 =	simm.s32 $0x8600  }
0x2d: {  	(v2sf) =	vpush v1, $0x5;
	[tilespmem:s6], [sflag:$0x2] =	stream.linear.gather [hbm4b:s8+s1], $0x80, $0x38;
	[tilespmem:$0x10400] =	vst v63  }
0x2e: {  	s17 =	sadd.s32 s3, s11;
	s20 =	sand.u32 $0x1FFFFFF0, s12;
	s22 =	spop (v2sf);
	(v2sf) =	vpush v63, $0x5  }
0x2f: {  	[tilespmem:s16], [sflag:$0x1] =	stream.linear.gather [hbm4b:s17+s1], $0x80, $0x38;
	[tilespmem:$0x10400] =	vst v63  }
0x30: {  	s11 =	sadd.s32 s4, s20;
	(v2sf) =	vpush v1, $0x6;
	s8 =	sand.u32 $0x1FFFFFF0, s22;
	s24 =	spop (v2sf)  }
0x31: {  	[tilespmem:s21], [sflag:$0x2] =	stream.linear.gather [hbm4b:s11+s1], $0x80, $0x38;
	[tilespmem:$0x10400] =	vst v63  }
0x32: {  	s8 =	sadd.s32 s3, s8;
	s25 =	spop (v2sf);
	s11 =	sand.u32 $0x1FFFFFF0, s24  }
0x33: {  	[tilespmem:s23], [sflag:$0x1] =	stream.linear.gather [hbm4b:s8+s1], $0x80, $0x38;
	[tilespmem:$0x10400] =	vst v63  }
0x34: {  	s12 =	simm.s32 $0x8A00;
	(v2sf) =	vpush v63, $0x6;
	s30 =	sand.u32 $0x1FFFFFF0, s25;
	s29 =	sadd.s32 s4, s11  }
0x35: {  	[tilespmem:s26], [sflag:$0x2] =	stream.linear.gather [hbm4b:s29+s1], $0x80, $0x38;
	[tilespmem:$0x10400] =	vst v63  }
0x36: {  	s13 =	sadd.s32 s3, s30;
	s21 =	simm.s32 $0x8680;
	s31 =	spop (v2sf)  }
0x37: {  	[tilespmem:s10], [sflag:$0x1] =	stream.linear.gather [hbm4b:s13+s1], $0x80, $0x38;
	[tilespmem:$0x10400] =	vst v63  }
0x38: {  	s23 =	simm.s32 $0x700;
	(v2sf) =	vpush v1, $0x7;
	s6 =	sand.u32 $0x1FFFFFF0, s31;
	s15 =	spop (v2sf)  }
0x39: {  	s6 =	sadd.s32 s4, s6;
	s10 =	sand.u32 $0x1FFFFFF0, s15;
	s16 =	spop (v2sf)  }
0x3a: {  	(v2sf) =	vpush v63, $0x7;
	[tilespmem:s7], [sflag:$0x2] =	stream.linear.gather [hbm4b:s6+s1], $0x80, $0x38;
	[tilespmem:$0x10400] =	vst v63  }
0x3b: {  	s13 =	simm.s32 $0xA80;
	(v2sf) =	vpush v1, $0x8;
	s17 =	sadd.s32 s3, s10;
	s20 =	sand.u32 $0x1FFFFFF0, s16  }
0x3c: {  	s22 =	spop (v2sf);
	s10 =	simm.s32 $0x8A80;
	s7 =	sadd.s32 s4, s20  }
0x3d: {  	(v2sf) =	vpush v63, $0x8;
	s24 =	sand.u32 $0x1FFFFFF0, s22;
	s25 =	spop (v2sf);
	s22 =	simm.s32 $0x8780  }
0x3e: {  	[tilespmem:s9], [sflag:$0x1] =	stream.linear.gather [hbm4b:s17+s1], $0x80, $0x38;
	[tilespmem:$0x10400] =	vst v63  }
0x3f: {  	(v2sf) =	vpush v1, $0x9;
	s8 =	sadd.s32 s3, s24;
	s9 =	sand.u32 $0x1FFFFFF0, s25;
	s26 =	spop (v2sf)  }
0x40: {  	[tilespmem:s14], [sflag:$0x2] =	stream.linear.gather [hbm4b:s7+s1], $0x80, $0x38;
	[tilespmem:$0x10400] =	vst v63  }
0x41: {  	(v2sf) =	vpush v63, $0x9;
	s17 =	simm.s32 $0x780;
	s24 =	simm.s32 $0x800;
	s29 =	sadd.s32 s4, s9  }
0x42: {  	[tilespmem:s5], [sflag:$0x1] =	stream.linear.gather [hbm4b:s8+s1], $0x80, $0x38;
	[tilespmem:$0x10400] =	vst v63  }
0x43: {  	s30 =	sand.u32 $0x1FFFFFF0, s26;
	s31 =	spop (v2sf);
	(v2sf) =	vpush v1, $0xA;
	s9 =	simm.s32 $0x8880  }
0x44: {  	[tilespmem:s21], [sflag:$0x2] =	stream.linear.gather [hbm4b:s29+s1], $0x80, $0x38;
	[tilespmem:$0x10400] =	vst v63  }
0x45: {  	s11 =	sadd.s32 s3, s30;
	s14 =	simm.s32 $0x8700;
	(v2sf) =	vpush v63, $0xA;
	s6 =	sand.u32 $0x1FFFFFF0, s31  }
0x46: {  	[tilespmem:s23], [sflag:$0x1] =	stream.linear.gather [hbm4b:s11+s1], $0x80, $0x38;
	[tilespmem:$0x10400] =	vst v63  }
0x47: {  	s6 =	sadd.s32 s4, s6;
	s29 =	simm.s32 $0x8800;
	s15 =	spop (v2sf);
	(v2sf) =	vpush v1, $0xB  }
0x48: {  	[tilespmem:s14], [sflag:$0x2] =	stream.linear.gather [hbm4b:s6+s1], $0x80, $0x38;
	[tilespmem:$0x10400] =	vst v63  }
0x49: {  	s14 =	simm.s32 $0x900;
	s8 =	sand.u32 $0x1FFFFFF0, s15;
	s16 =	spop (v2sf)  }
0x4a: {  	s20 =	sadd.s32 s3, s8;
	s21 =	sand.u32 $0x1FFFFFF0, s16;
	s23 =	spop (v2sf)  }
0x4b: {  	(v2sf) =	vpush v63, $0xB;
	[tilespmem:s17], [sflag:$0x1] =	stream.linear.gather [hbm4b:s20+s1], $0x80, $0x38;
	[tilespmem:$0x10400] =	vst v63  }
0x4c: {  	s8 =	sadd.s32 s4, s21;
	s7 =	sand.u32 $0x1FFFFFF0, s23;
	s25 =	spop (v2sf)  }
0x4d: {  	[tilespmem:s22], [sflag:$0x2] =	stream.linear.gather [hbm4b:s8+s1], $0x80, $0x38;
	[tilespmem:$0x10400] =	vst v63  }
0x4e: {  	(v2sf) =	vpush v1, $0xC;
	s7 =	sadd.s32 s3, s7;
	s26 =	spop (v2sf);
	s8 =	sand.u32 $0x1FFFFFF0, s25  }
0x4f: {  	(v2sf) =	vpush v63, $0xC;
	[tilespmem:s24], [sflag:$0x1] =	stream.linear.gather [hbm4b:s7+s1], $0x80, $0x38;
	[tilespmem:$0x10400] =	vst v63  }
0x50: {  	s31 =	sand.u32 $0x1FFFFFF0, s26;
	s11 =	spop (v2sf);
	s30 =	sadd.s32 s4, s8  }
0x51: {  	[tilespmem:s29], [sflag:$0x2] =	stream.linear.gather [hbm4b:s30+s1], $0x80, $0x38;
	[tilespmem:$0x10400] =	vst v63  }
0x52: {  	s8 =	sadd.s32 s3, s31;
	s15 =	spop (v2sf);
	s7 =	sand.u32 $0x1FFFFFF0, s11  }
0x53: {  	[tilespmem:s2], [sflag:$0x1] =	stream.linear.gather [hbm4b:s8+s1], $0x80, $0x38;
	[tilespmem:$0x10400] =	vst v63  }
0x54: {  	s16 =	spop (v2sf);
	s7 =	sadd.s32 s4, s7;
	s8 =	sand.u32 $0x1FFFFFF0, s15  }
0x55: {  	[tilespmem:s9], [sflag:$0x2] =	stream.linear.gather [hbm4b:s7+s1], $0x80, $0x38;
	[tilespmem:$0x10400] =	vst v63  }
0x56: {  	s20 =	sand.u32 $0x1FFFFFF0, s16;
	s17 =	sadd.s32 s3, s8;
	s21 =	spop (v2sf)  }
0x57: {  	[tilespmem:s14], [sflag:$0x1] =	stream.linear.gather [hbm4b:s17+s1], $0x80, $0x38;
	[tilespmem:$0x10400] =	vst v63  }
0x58: {  	s5 =	simm.s32 $0x8980;
	s22 =	sadd.s32 s4, s20;
	s23 =	sand.u32 $0x1FFFFFF0, s21  }
0x59: {  	[tilespmem:s0], [sflag:$0x2] =	stream.linear.gather [hbm4b:s22+s1], $0x80, $0x38;
	[tilespmem:$0x10400] =	vst v63  }
0x5a: {  	s25 =	simm.s32 $0x980;
	(v2sf) =	vpush v1, $0xD;
	s24 =	spop (v2sf);
	s26 =	sadd.s32 s3, s23  }
0x5b: {  	(v2sf) =	vpush v63, $0xD;
	s29 =	sand.u32 $0x1FFFFFF0, s24;
	s23 =	simm.s32 $0x10;
	s24 =	simm.s32 $0x210  }
0x5c: {  	(v2sf) =	vpush v1, $0xE;
	[tilespmem:s25], [sflag:$0x1] =	stream.linear.gather [hbm4b:s26+s1], $0x80, $0x38;
	[tilespmem:$0x10400] =	vst v63  }
0x5d: {  	s30 =	sadd.s32 s4, s29;
	(v2sf) =	vpush v63, $0xE;
	s31 =	spop (v2sf);
	s26 =	simm.s32 $0xB00  }
0x5e: {  	(v2sf) =	vpush v1, $0xF;
	s25 =	simm.s32 $0x8B00;
	s0 =	sand.u32 $0x1FFFFFF0, s31;
	s2 =	spop (v2sf)  }
0x5f: {  	(v2sf) =	vpush v63, $0xF;
	[tilespmem:s5], [sflag:$0x2] =	stream.linear.gather [hbm4b:s30+s1], $0x80, $0x38;
	[tilespmem:$0x10400] =	vst v63  }
.LBB2_2:
0x60: {  	_ =	sdelay $0x4  }
0x61: {  	s0 =	sadd.s32 s3, s0;
	s2 =	sand.u32 $0x1FFFFFF0, s2  }
0x62: {  	[tilespmem:s28], [sflag:$0x1] =	stream.linear.gather [hbm4b:s0+s1], $0x80, $0x38;
	[tilespmem:$0x10400] =	vst v63  }
0x63: {  	s29 =	sadd.s32 s4, s2  }
0x64: {  	[tilespmem:s12], [sflag:$0x2] =	stream.linear.gather [hbm4b:s29+s1], $0x80, $0x38;
	[tilespmem:$0x10400] =	vst v63  }
0x65: {  	s5 =	spop (v2sf)  }
0x66: {  	s30 =	sand.u32 $0x1FFFFFF0, s5;
	s31 =	spop (v2sf)  }
0x67: {  	s2 =	sadd.s32 s3, s30;
	s5 =	sand.u32 $0x1FFFFFF0, s31;
	s6 =	spop (v2sf)  }
0x68: {  	[tilespmem:s13], [sflag:$0x1] =	stream.linear.gather [hbm4b:s2+s1], $0x80, $0x38;
	[tilespmem:$0x10400] =	vst v63  }
0x69: {  	s7 =	sadd.s32 s4, s5;
	s8 =	sand.u32 $0x1FFFFFF0, s6;
	s9 =	spop (v2sf)  }
0x6a: {  	[tilespmem:s10], [sflag:$0x2] =	stream.linear.gather [hbm4b:s7+s1], $0x80, $0x38;
	[tilespmem:$0x10400] =	vst v63  }
0x6b: {  	s11 =	sand.u32 $0x1FFFFFF0, s9;
	s12 =	spop (v2sf);
	s10 =	sadd.s32 s3, s8  }
0x6c: {  	[tilespmem:s26], [sflag:$0x1] =	stream.linear.gather [hbm4b:s10+s1], $0x80, $0x38;
	[tilespmem:$0x10400] =	vst v63  }
0x6d: {  	s13 =	sadd.s32 s4, s11;
	s14 =	sand.u32 $0x1FFFFFF0, s12;
	s15 =	spop (v2sf)  }
0x6e: {  	[tilespmem:s25], [sflag:$0x2] =	stream.linear.gather [hbm4b:s13+s1], $0x80, $0x38;
	[tilespmem:$0x10400] =	vst v63  }
0x6f: {  	s16 =	sadd.s32 $0xB80, s18;
	s2 =	sadd.s32 s3, s14;
	s5 =	sand.u32 $0x1FFFFFF0, s15  }
0x70: {  	[tilespmem:s16], [sflag:$0x1] =	stream.linear.gather [hbm4b:s2+s1], $0x80, $0x38;
	[tilespmem:$0x10400] =	vst v63  }
0x71: {  	s17 =	sadd.s32 $0x8B80, s18;
	s18 =	sadd.s32 s4, s5  }
0x72: {  	[tilespmem:s17], [sflag:$0x2] =	stream.linear.gather [hbm4b:s18+s1], $0x80, $0x38;
	[tilespmem:$0x10400] =	vst v63  }
0x73: {  	v0 =	vld [tilespmem:s23+$0x0]  }
0x74: {  	v2 =	vld [tilespmem:s24+$0x0];
	_ =	sdelay $0x3  }
0x75: {  	v1 =	vshll.u32 v0, $0x4  }
0x76: {  	s20 =	smov.u32 s19;
	v63 =	vshll.u32 v2, $0x4;
	(v2sf) =	vpush v1, $0x0  }
0x77: {  	s18 =	sshra.s32 s20, $0x2;
	(v2sf) =	vpush v63, $0x0  }
0x78: {  	p0 =	sne.s32 s19, $0x1E000;
	s19 =	sadd.s32 $0x2000, s19;
	s30 =	sadd.s32 $0x8400, s18;
	(v2sf) =	vpush v1, $0x1  }
0x79: {  	s6 =	sadd.s32 $0x680, s18;
	s0 =	sadd.s32 $0x880, s18;
	s29 =	sadd.s32 $0x400, s18  }
0x7a: {  	s13 =	sadd.s32 $0x600, s18;
	s21 =	sadd.s32 $0x8900, s18;
	s12 =	sadd.s32 $0x580, s18;
	(v2sf) =	vpush v63, $0x1  }
0x7b: {  	s17 =	sadd.s32 $0x8580, s18;
	s22 =	sadd.s32 $0x8A00, s18;
	s20 =	sadd.s32 $0x500, s18  }
0x7c: {  	s14 =	sadd.s32 $0x8600, s18;
	s5 =	sadd.s32 $0xA80, s18;
	s31 =	sadd.s32 $0x8480, s18;
	(v2sf) =	vpush v1, $0x2  }
0x7d: {  	s11 =	sadd.s32 $0x8680, s18;
	s10 =	sadd.s32 $0x700, s18;
	[dreg:$0x8] =	wrdreg s0  }
0x7e: {  	s25 =	sadd.s32 $0x8980, s18;
	s26 =	sadd.s32 $0x8A80, s18;
	[dreg:$0x4] =	wrdreg s21;
	(v2sf) =	vpush v63, $0x2  }
0x7f: {  	s9 =	sadd.s32 $0x8700, s18;
	s7 =	sadd.s32 $0x8880, s18;
	[dreg:$0x12] =	wrdreg s22  }
0x80: {  	s8 =	sadd.s32 $0x900, s18;
	s15 =	sadd.s32 $0x8800, s18;
	[dreg:$0x6] =	wrdreg s25;
	(v2sf) =	vpush v1, $0x3  }
0x81: {  	s28 =	sadd.s32 $0xA00, s18;
	s16 =	sadd.s32 $0x800, s18;
	[dreg:$0x14] =	wrdreg s26  }
0x82: {  	s23 =	sadd.s32 $0x10, s23;
	s24 =	sadd.s32 $0x10, s24;
	[dreg:$0xc] =	wrdreg s7;
	(v2sf) =	vpush v63, $0x3  }
0x83: {  	s2 =	sadd.s32 $0x980, s18;
	s0 =	sadd.s32 $0x8500, s18;
	[dreg:$0xa] =	wrdreg s8  }
0x84: {  	s8 =	sadd.s32 $0x780, s18;
	[dreg:$0xe] =	wrdreg s15;
	s15 =	sadd.s32 $0x480, s18;
	(v2sf) =	vpush v1, $0x4  }
0x85: {  	s7 =	sadd.s32 $0x8780, s18;
	[dreg:$0x10] =	wrdreg s16;
	s21 =	spop (v2sf)  }
0x86: {  	s26 =	sadd.s32 $0xB00, s18;
	s21 =	sand.u32 $0x1FFFFFF0, s21;
	s22 =	spop (v2sf);
	(v2sf) =	vpush v63, $0x4  }
0x87: {  	s21 =	sadd.s32 s3, s21;
	s22 =	sand.u32 $0x1FFFFFF0, s22;
	s16 =	spop (v2sf)  }
0x88: {  	(v2sf) =	vpush v1, $0x5;
	[tilespmem:s29], [sflag:$0x1] =	stream.linear.gather [hbm4b:s21+s1], $0x80, $0x38;
	[tilespmem:$0x10400] =	vst v63  }
0x89: {  	s22 =	sadd.s32 s4, s22;
	s16 =	sand.u32 $0x1FFFFFF0, s16;
	s29 =	spop (v2sf);
	(v2sf) =	vpush v63, $0x5  }
0x8a: {  	[tilespmem:s30], [sflag:$0x2] =	stream.linear.gather [hbm4b:s22+s1], $0x80, $0x38;
	[tilespmem:$0x10400] =	vst v63  }
0x8b: {  	s16 =	sadd.s32 s3, s16;
	s29 =	sand.u32 $0x1FFFFFF0, s29;
	s30 =	spop (v2sf);
	(v2sf) =	vpush v1, $0x6  }
0x8c: {  	[tilespmem:s15], [sflag:$0x1] =	stream.linear.gather [hbm4b:s16+s1], $0x80, $0x38;
	[tilespmem:$0x10400] =	vst v63  }
0x8d: {  	s21 =	sand.u32 $0x1FFFFFF0, s30;
	s22 =	spop (v2sf);
	(v2sf) =	vpush v63, $0x6;
	s16 =	sadd.s32 s4, s29  }
0x8e: {  	[tilespmem:s31], [sflag:$0x2] =	stream.linear.gather [hbm4b:s16+s1], $0x80, $0x38;
	[tilespmem:$0x10400] =	vst v63  }
0x8f: {  	s29 =	sadd.s32 s3, s21;
	s30 =	sand.u32 $0x1FFFFFF0, s22;
	s31 =	spop (v2sf)  }
0x90: {  	(v2sf) =	vpush v1, $0x7;
	[tilespmem:s20], [sflag:$0x1] =	stream.linear.gather [hbm4b:s29+s1], $0x80, $0x38;
	[tilespmem:$0x10400] =	vst v63  }
0x91: {  	s21 =	sand.u32 $0x1FFFFFF0, s31;
	s22 =	spop (v2sf);
	s20 =	sadd.s32 s4, s30  }
0x92: {  	(v2sf) =	vpush v63, $0x7;
	[tilespmem:s0], [sflag:$0x2] =	stream.linear.gather [hbm4b:s20+s1], $0x80, $0x38;
	[tilespmem:$0x10400] =	vst v63  }
0x93: {  	s29 =	sadd.s32 s3, s21;
	s30 =	sand.u32 $0x1FFFFFF0, s22;
	s31 =	spop (v2sf)  }
0x94: {  	[tilespmem:s12], [sflag:$0x1] =	stream.linear.gather [hbm4b:s29+s1], $0x80, $0x38;
	[tilespmem:$0x10400] =	vst v63  }
0x95: {  	s21 =	sand.u32 $0x1FFFFFF0, s31;
	s20 =	sadd.s32 s4, s30;
	s22 =	spop (v2sf)  }
0x96: {  	(v2sf) =	vpush v1, $0x8;
	[tilespmem:s17], [sflag:$0x2] =	stream.linear.gather [hbm4b:s20+s1], $0x80, $0x38;
	[tilespmem:$0x10400] =	vst v63  }
0x97: {  	s25 =	sadd.s32 $0x8B00, s18;
	s29 =	sadd.s32 s3, s21;
	s31 =	spop (v2sf)  }
0x98: {  	s12 =	rddreg [dreg:$0x12];
	(v2sf) =	vpush v63, $0x8;
	s30 =	sand.u32 $0x1FFFFFF0, s22;
	s20 =	spop (v2sf)  }
0x99: {  	(v2sf) =	vpush v1, $0x9;
	[tilespmem:s13], [sflag:$0x1] =	stream.linear.gather [hbm4b:s29+s1], $0x80, $0x38;
	[tilespmem:$0x10400] =	vst v63  }
0x9a: {  	s16 =	sadd.s32 s4, s30;
	s17 =	sand.u32 $0x1FFFFFF0, s31;
	s29 =	spop (v2sf)  }
0x9b: {  	(v2sf) =	vpush v63, $0x9;
	[tilespmem:s14], [sflag:$0x2] =	stream.linear.gather [hbm4b:s16+s1], $0x80, $0x38;
	[tilespmem:$0x10400] =	vst v63  }
0x9c: {  	s22 =	sand.u32 $0x1FFFFFF0, s20;
	s13 =	smov.u32 s5;
	s5 =	spop (v2sf)  }
0x9d: {  	s21 =	sadd.s32 s3, s17;
	s30 =	sadd.s32 s4, s22;
	s14 =	sand.u32 $0x1FFFFFF0, s5  }
0x9e: {  	[tilespmem:s6], [sflag:$0x1] =	stream.linear.gather [hbm4b:s21+s1], $0x80, $0x38;
	[tilespmem:$0x10400] =	vst v63  }
0x9f: {  	(v2sf) =	vpush v1, $0xA;
	s31 =	sand.u32 $0x1FFFFFF0, s29;
	s16 =	sadd.s32 s4, s14;
	s15 =	spop (v2sf)  }
0xa0: {  	[tilespmem:s11], [sflag:$0x2] =	stream.linear.gather [hbm4b:s30+s1], $0x80, $0x38;
	[tilespmem:$0x10400] =	vst v63  }
0xa1: {  	(v2sf) =	vpush v63, $0xA;
	s11 =	sadd.s32 s3, s31;
	s17 =	sand.u32 $0x1FFFFFF0, s15;
	s20 =	spop (v2sf)  }
0xa2: {  	[tilespmem:s10], [sflag:$0x1] =	stream.linear.gather [hbm4b:s11+s1], $0x80, $0x38;
	[tilespmem:$0x10400] =	vst v63  }
0xa3: {  	s21 =	sadd.s32 s3, s17;
	s22 =	sand.u32 $0x1FFFFFF0, s20;
	s10 =	rddreg [dreg:$0x14]  }
0xa4: {  	[tilespmem:s9], [sflag:$0x2] =	stream.linear.gather [hbm4b:s16+s1], $0x80, $0x38;
	[tilespmem:$0x10400] =	vst v63  }
0xa5: {  	(v2sf) =	vpush v1, $0xB;
	s29 =	spop (v2sf);
	s30 =	sadd.s32 s4, s22;
	s22 =	rddreg [dreg:$0x8]  }
0xa6: {  	[tilespmem:s8], [sflag:$0x1] =	stream.linear.gather [hbm4b:s21+s1], $0x80, $0x38;
	[tilespmem:$0x10400] =	vst v63  }
0xa7: {  	(v2sf) =	vpush v63, $0xB;
	s31 =	sand.u32 $0x1FFFFFF0, s29;
	s9 =	rddreg [dreg:$0x10];
	s5 =	spop (v2sf)  }
0xa8: {  	(v2sf) =	vpush v1, $0xC;
	s6 =	sadd.s32 s3, s31;
	s16 =	rddreg [dreg:$0xe];
	s8 =	spop (v2sf)  }
0xa9: {  	[tilespmem:s7], [sflag:$0x2] =	stream.linear.gather [hbm4b:s30+s1], $0x80, $0x38;
	[tilespmem:$0x10400] =	vst v63  }
0xaa: {  	(v2sf) =	vpush v63, $0xC;
	s7 =	sand.u32 $0x1FFFFFF0, s5;
	s14 =	sand.u32 $0x1FFFFFF0, s8;
	s15 =	spop (v2sf)  }
0xab: {  	[tilespmem:s9], [sflag:$0x1] =	stream.linear.gather [hbm4b:s6+s1], $0x80, $0x38;
	[tilespmem:$0x10400] =	vst v63  }
0xac: {  	s8 =	rddreg [dreg:$0xc];
	s11 =	sadd.s32 s4, s7;
	s17 =	sadd.s32 s3, s14  }
0xad: {  	[tilespmem:s16], [sflag:$0x2] =	stream.linear.gather [hbm4b:s11+s1], $0x80, $0x38;
	[tilespmem:$0x10400] =	vst v63  }
0xae: {  	s20 =	sand.u32 $0x1FFFFFF0, s15;
	s15 =	rddreg [dreg:$0xa];
	s21 =	spop (v2sf)  }
0xaf: {  	[tilespmem:s22], [sflag:$0x1] =	stream.linear.gather [hbm4b:s17+s1], $0x80, $0x38;
	[tilespmem:$0x10400] =	vst v63  }
0xb0: {  	s29 =	sadd.s32 s4, s20;
	s30 =	sand.u32 $0x1FFFFFF0, s21;
	s31 =	spop (v2sf)  }
0xb1: {  	[tilespmem:s8], [sflag:$0x2] =	stream.linear.gather [hbm4b:s29+s1], $0x80, $0x38;
	[tilespmem:$0x10400] =	vst v63  }
0xb2: {  	s21 =	rddreg [dreg:$0x4];
	s9 =	sadd.s32 s3, s30;
	s11 =	sand.u32 $0x1FFFFFF0, s31  }
0xb3: {  	[tilespmem:s15], [sflag:$0x1] =	stream.linear.gather [hbm4b:s9+s1], $0x80, $0x38;
	[tilespmem:$0x10400] =	vst v63  }
0xb4: {  	s31 =	rddreg [dreg:$0x6];
	s16 =	sadd.s32 s4, s11;
	s14 =	spop (v2sf)  }
0xb5: {  	(v2sf) =	vpush v1, $0xD;
	[tilespmem:s21], [sflag:$0x2] =	stream.linear.gather [hbm4b:s16+s1], $0x80, $0x38;
	[tilespmem:$0x10400] =	vst v63  }
.Ltmp0:
0xb6: {  	(v2sf) =	vpush v63, $0xD;
	s17 =	sand.u32 $0x1FFFFFF0, s14;
	s20 =	spop (v2sf);
	(pc) =	sbr.rel @p0 .LBB2_2-.Ltmp0, $4  }
0xb7: {  	(v2sf) =	vpush v1, $0xE;
	s22 =	sadd.s32 s3, s17;
	s29 =	sand.u32 $0x1FFFFFF0, s20;
	s30 =	spop (v2sf)  }
0xb8: {  	(v2sf) =	vpush v63, $0xE;
	[tilespmem:s2], [sflag:$0x1] =	stream.linear.gather [hbm4b:s22+s1], $0x80, $0x38;
	[tilespmem:$0x10400] =	vst v63  }
0xb9: {  	(v2sf) =	vpush v1, $0xF;
	s5 =	sadd.s32 s4, s29;
	s0 =	sand.u32 $0x1FFFFFF0, s30;
	s2 =	spop (v2sf)  }
0xba: {  	(v2sf) =	vpush v63, $0xF;
	[tilespmem:s31], [sflag:$0x2] =	stream.linear.gather [hbm4b:s5+s1], $0x80, $0x38;
	[tilespmem:$0x10400] =	vst v63  }
0xbb: {  	_ =	sdelay $0x4  }
0xbc: {  	s0 =	sadd.s32 s3, s0;
	s2 =	sand.u32 $0x1FFFFFF0, s2  }
0xbd: {  	[tilespmem:s28], [sflag:$0x1] =	stream.linear.gather [hbm4b:s0+s1], $0x80, $0x38;
	[tilespmem:$0x10400] =	vst v63  }
0xbe: {  	s6 =	sadd.s32 s4, s2  }
0xbf: {  	[tilespmem:s12], [sflag:$0x2] =	stream.linear.gather [hbm4b:s6+s1], $0x80, $0x38;
	[tilespmem:$0x10400] =	vst v63  }
0xc0: {  	s5 =	spop (v2sf)  }
0xc1: {  	s7 =	sand.u32 $0x1FFFFFF0, s5;
	s8 =	spop (v2sf)  }
0xc2: {  	s9 =	sadd.s32 s3, s7;
	s11 =	sand.u32 $0x1FFFFFF0, s8;
	s12 =	spop (v2sf)  }
0xc3: {  	[tilespmem:s13], [sflag:$0x1] =	stream.linear.gather [hbm4b:s9+s1], $0x80, $0x38;
	[tilespmem:$0x10400] =	vst v63  }
0xc4: {  	s14 =	sadd.s32 s4, s11;
	s15 =	sand.u32 $0x1FFFFFF0, s12;
	s16 =	spop (v2sf)  }
0xc5: {  	[tilespmem:s10], [sflag:$0x2] =	stream.linear.gather [hbm4b:s14+s1], $0x80, $0x38;
	[tilespmem:$0x10400] =	vst v63  }
0xc6: {  	s17 =	sadd.s32 s3, s15;
	s19 =	sand.u32 $0x1FFFFFF0, s16;
	s20 =	spop (v2sf)  }
0xc7: {  	[tilespmem:s26], [sflag:$0x1] =	stream.linear.gather [hbm4b:s17+s1], $0x80, $0x38;
	[tilespmem:$0x10400] =	vst v63  }
0xc8: {  	s21 =	sadd.s32 s4, s19;
	s22 =	sand.u32 $0x1FFFFFF0, s20;
	s23 =	spop (v2sf)  }
0xc9: {  	[tilespmem:s25], [sflag:$0x2] =	stream.linear.gather [hbm4b:s21+s1], $0x80, $0x38;
	[tilespmem:$0x10400] =	vst v63  }
0xca: {  	s24 =	sadd.s32 $0xB80, s18;
	s2 =	sadd.s32 s3, s22;
	s5 =	sand.u32 $0x1FFFFFF0, s23  }
0xcb: {  	[tilespmem:s24], [sflag:$0x1] =	stream.linear.gather [hbm4b:s2+s1], $0x80, $0x38;
	[tilespmem:$0x10400] =	vst v63  }
0xcc: {  	s29 =	simm.s32 $0x1;
	s26 =	sadd.s32 s4, s5;
	s25 =	sadd.s32 $0x8B80, s18  }
0xcd: {  	[tilespmem:s25], [sflag:$0x2] =	stream.linear.gather [hbm4b:s26+s1], $0x80, $0x38;
	[tilespmem:$0x10400] =	vst v63  }
0xce: {  	_ =	swait.ge [sflag:s29], $0x8000  }
0xcf: {  	[sflag:s29] =	ssyncset.done $0x0  }
0xd0: {  	s30 =	simm.s32 $0x2;
	[sflag:s29] =	ssyncadd.s32 $0xFFFF8000  }
0xd1: {  	_ =	swait.ge [sflag:s30], $0x8000  }
0xd2: {  	s31 =	simm.s32 $0x0;
	s7 =	simm.s32 $0x400;
	[sflag:s30] =	ssyncset.done $0x0  }
0xd3: {  	s8 =	simm.s32 $0x3;
	s6 =	rddreg [dreg:$0x18];
	[sflag:s30] =	ssyncadd.s32 $0xFFFF8000  }
0xd4: {  	[hbm4b:s6+s31] =	stream.linear.scatter [tilespmem:s7], [sflag:$0x3], $0x8000, $0x38;
	[tilespmem:$0x10400] =	vst v63  }
0xd5: {  	_ =	swait.ge [sflag:s8], $0x8000  }
0xd6: {  	[sflag:s8] =	ssyncset.done $0x0  }
0xd7: {  	s6 =	simm.s32 $0x8400;
	s9 =	rddreg [dreg:$0x19];
	[sflag:s8] =	ssyncadd.s32 $0xFFFF8000  }
0xd8: {  	[hbm4b:s9+s31] =	stream.linear.scatter [tilespmem:s6], [sflag:$0x3], $0x8000, $0x38;
	[tilespmem:$0x10400] =	vst v63  }
0xd9: {  	_ =	swait.ge [sflag:s8], $0x8000  }
0xda: {  	[sflag:s8] =	ssyncset.done $0x0  }
0xdb: {  	s10 =	simm.s32 $0x100;
	[sflag:s8] =	ssyncadd.s32 $0xFFFF8000  }
0xdc: {  	s11 =	simm.s32 $0x300;
	v0 =	vld [tilespmem:s10+$0x0]  }
0xdd: {  	v2 =	vld [tilespmem:s11+$0x0];
	_ =	sdelay $0x3  }
0xde: {  	v1 =	vshll.u32 v0, $0x4  }
0xdf: {  	v63 =	vshll.u32 v2, $0x4;
	(v2sf) =	vpush v1, $0x0  }
0xe0: {  	(v2sf) =	vpush v63, $0x0;
	_ =	sdelay $0x2  }
0xe1: {  	(v2sf) =	vpush v1, $0x1  }
0xe2: {  	(v2sf) =	vpush v63, $0x1;
	_ =	sdelay $0x1  }
0xe3: {  	(v2sf) =	vpush v1, $0x2;
	_ =	sdelay $0x1  }
0xe4: {  	(v2sf) =	vpush v63, $0x2;
	_ =	sdelay $0x1  }
0xe5: {  	s0 =	simm.s32 $0x8900;
	(v2sf) =	vpush v1, $0x3  }
0xe6: {  	s28 =	simm.s32 $0xA00;
	s12 =	simm.s32 $0x8400;
	s16 =	simm.s32 $0x480  }
0xe7: {  	s19 =	simm.s32 $0x2000;
	s23 =	simm.s32 $0x500;
	s5 =	simm.s32 $0x680;
	(v2sf) =	vpush v63, $0x3  }
0xe8: {  	s18 =	simm.s32 $0x0;
	s21 =	simm.s32 $0x8480;
	s2 =	simm.s32 $0x880  }
0xe9: {  	s26 =	simm.s32 $0x8500;
	s7 =	simm.s32 $0x400;
	s8 =	spop (v2sf)  }
0xea: {  	s9 =	simm.s32 $0x600;
	s8 =	sand.u32 $0x1FFFFFF0, s8;
	s11 =	spop (v2sf)  }
0xeb: {  	s10 =	simm.s32 $0x580;
	(v2sf) =	vpush v1, $0x4;
	s8 =	sadd.s32 s3, s8;
	s13 =	sand.u32 $0x1FFFFFF0, s11  }
0xec: {  	(v2sf) =	vpush v63, $0x4;
	[tilespmem:s7], [sflag:$0x1] =	stream.linear.gather [hbm4b:s8+s1], $0x80, $0x38;
	[tilespmem:$0x10400] =	vst v63  }
0xed: {  	s14 =	spop (v2sf);
	s7 =	simm.s32 $0x8580;
	s8 =	sadd.s32 s4, s13  }
0xee: {  	s11 =	sand.u32 $0x1FFFFFF0, s14;
	s15 =	spop (v2sf);
	s14 =	simm.s32 $0x8600  }
0xef: {  	(v2sf) =	vpush v1, $0x5;
	[tilespmem:s12], [sflag:$0x2] =	stream.linear.gather [hbm4b:s8+s1], $0x80, $0x38;
	[tilespmem:$0x10400] =	vst v63  }
0xf0: {  	s17 =	sadd.s32 s3, s11;
	s20 =	sand.u32 $0x1FFFFFF0, s15;
	s22 =	spop (v2sf)  }
0xf1: {  	(v2sf) =	vpush v63, $0x5;
	[tilespmem:s16], [sflag:$0x1] =	stream.linear.gather [hbm4b:s17+s1], $0x80, $0x38;
	[tilespmem:$0x10400] =	vst v63  }
0xf2: {  	s11 =	sadd.s32 s4, s20;
	s8 =	sand.u32 $0x1FFFFFF0, s22;
	s24 =	spop (v2sf)  }
0xf3: {  	[tilespmem:s21], [sflag:$0x2] =	stream.linear.gather [hbm4b:s11+s1], $0x80, $0x38;
	[tilespmem:$0x10400] =	vst v63  }
0xf4: {  	(v2sf) =	vpush v1, $0x6;
	s8 =	sadd.s32 s3, s8;
	s25 =	spop (v2sf);
	s11 =	sand.u32 $0x1FFFFFF0, s24  }
0xf5: {  	(v2sf) =	vpush v63, $0x6;
	[tilespmem:s23], [sflag:$0x1] =	stream.linear.gather [hbm4b:s8+s1], $0x80, $0x38;
	[tilespmem:$0x10400] =	vst v63  }
0xf6: {  	s30 =	sand.u32 $0x1FFFFFF0, s25;
	s31 =	spop (v2sf);
	s29 =	sadd.s32 s4, s11  }
0xf7: {  	(v2sf) =	vpush v1, $0x7;
	[tilespmem:s26], [sflag:$0x2] =	stream.linear.gather [hbm4b:s29+s1], $0x80, $0x38;
	[tilespmem:$0x10400] =	vst v63  }
0xf8: {  	s12 =	simm.s32 $0x8A00;
	s13 =	sadd.s32 s3, s30;
	s6 =	sand.u32 $0x1FFFFFF0, s31  }
0xf9: {  	[tilespmem:s10], [sflag:$0x1] =	stream.linear.gather [hbm4b:s13+s1], $0x80, $0x38;
	[tilespmem:$0x10400] =	vst v63  }
0xfa: {  	s6 =	sadd.s32 s4, s6;
	s21 =	simm.s32 $0x8680;
	s15 =	spop (v2sf)  }
0xfb: {  	(v2sf) =	vpush v63, $0x7;
	s23 =	simm.s32 $0x700;
	s10 =	sand.u32 $0x1FFFFFF0, s15;
	s16 =	spop (v2sf)  }
0xfc: {  	[tilespmem:s7], [sflag:$0x2] =	stream.linear.gather [hbm4b:s6+s1], $0x80, $0x38;
	[tilespmem:$0x10400] =	vst v63  }
0xfd: {  	s13 =	simm.s32 $0xA80;
	(v2sf) =	vpush v1, $0x8;
	s17 =	sadd.s32 s3, s10;
	s20 =	sand.u32 $0x1FFFFFF0, s16  }
0xfe: {  	s10 =	simm.s32 $0x8A80;
	s22 =	spop (v2sf);
	s7 =	sadd.s32 s4, s20  }
0xff: {  	(v2sf) =	vpush v63, $0x8;
	[tilespmem:s9], [sflag:$0x1] =	stream.linear.gather [hbm4b:s17+s1], $0x80, $0x38;
	[tilespmem:$0x10400] =	vst v63  }
0x100: {  	s24 =	sand.u32 $0x1FFFFFF0, s22;
	s25 =	spop (v2sf);
	s17 =	simm.s32 $0x780  }
0x101: {  	(v2sf) =	vpush v1, $0x9;
	s22 =	simm.s32 $0x8780;
	s8 =	sadd.s32 s3, s24;
	s9 =	sand.u32 $0x1FFFFFF0, s25  }
0x102: {  	(v2sf) =	vpush v63, $0x9;
	[tilespmem:s14], [sflag:$0x2] =	stream.linear.gather [hbm4b:s7+s1], $0x80, $0x38;
	[tilespmem:$0x10400] =	vst v63  }
0x103: {  	s26 =	spop (v2sf);
	s24 =	simm.s32 $0x800;
	s29 =	sadd.s32 s4, s9  }
0x104: {  	(v2sf) =	vpush v1, $0xA;
	s30 =	sand.u32 $0x1FFFFFF0, s26;
	s31 =	spop (v2sf);
	s14 =	simm.s32 $0x8700  }
0x105: {  	[tilespmem:s5], [sflag:$0x1] =	stream.linear.gather [hbm4b:s8+s1], $0x80, $0x38;
	[tilespmem:$0x10400] =	vst v63  }
0x106: {  	(v2sf) =	vpush v63, $0xA;
	s9 =	simm.s32 $0x8880;
	s11 =	sadd.s32 s3, s30;
	s15 =	spop (v2sf)  }
0x107: {  	[tilespmem:s21], [sflag:$0x2] =	stream.linear.gather [hbm4b:s29+s1], $0x80, $0x38;
	[tilespmem:$0x10400] =	vst v63  }
0x108: {  	s6 =	sand.u32 $0x1FFFFFF0, s31;
	(v2sf) =	vpush v1, $0xB;
	s5 =	simm.s32 $0x8980;
	s8 =	sand.u32 $0x1FFFFFF0, s15  }
0x109: {  	[tilespmem:s23], [sflag:$0x1] =	stream.linear.gather [hbm4b:s11+s1], $0x80, $0x38;
	[tilespmem:$0x10400] =	vst v63  }
0x10a: {  	s6 =	sadd.s32 s4, s6;
	s16 =	spop (v2sf);
	s20 =	sadd.s32 s3, s8  }
0x10b: {  	[tilespmem:s14], [sflag:$0x2] =	stream.linear.gather [hbm4b:s6+s1], $0x80, $0x38;
	[tilespmem:$0x10400] =	vst v63  }
0x10c: {  	(v2sf) =	vpush v63, $0xB;
	s21 =	sand.u32 $0x1FFFFFF0, s16;
	s29 =	simm.s32 $0x8800;
	s23 =	spop (v2sf)  }
0x10d: {  	[tilespmem:s17], [sflag:$0x1] =	stream.linear.gather [hbm4b:s20+s1], $0x80, $0x38;
	[tilespmem:$0x10400] =	vst v63  }
0x10e: {  	s8 =	sadd.s32 s4, s21;
	s7 =	sand.u32 $0x1FFFFFF0, s23;
	s25 =	spop (v2sf)  }
0x10f: {  	[tilespmem:s22], [sflag:$0x2] =	stream.linear.gather [hbm4b:s8+s1], $0x80, $0x38;
	[tilespmem:$0x10400] =	vst v63  }
0x110: {  	s14 =	simm.s32 $0x900;
	(v2sf) =	vpush v1, $0xC;
	s7 =	sadd.s32 s3, s7;
	s26 =	spop (v2sf)  }
0x111: {  	s8 =	sand.u32 $0x1FFFFFF0, s25;
	(v2sf) =	vpush v63, $0xC;
	s25 =	simm.s32 $0x980;
	s11 =	spop (v2sf)  }
0x112: {  	[tilespmem:s24], [sflag:$0x1] =	stream.linear.gather [hbm4b:s7+s1], $0x80, $0x38;
	[tilespmem:$0x10400] =	vst v63  }
0x113: {  	s30 =	sadd.s32 s4, s8;
	s31 =	sand.u32 $0x1FFFFFF0, s26;
	s15 =	spop (v2sf)  }
0x114: {  	[tilespmem:s29], [sflag:$0x2] =	stream.linear.gather [hbm4b:s30+s1], $0x80, $0x38;
	[tilespmem:$0x10400] =	vst v63  }
0x115: {  	s8 =	sadd.s32 s3, s31;
	s7 =	sand.u32 $0x1FFFFFF0, s11;
	s16 =	spop (v2sf)  }
0x116: {  	[tilespmem:s2], [sflag:$0x1] =	stream.linear.gather [hbm4b:s8+s1], $0x80, $0x38;
	[tilespmem:$0x10400] =	vst v63  }
0x117: {  	s7 =	sadd.s32 s4, s7;
	s21 =	spop (v2sf);
	s8 =	sand.u32 $0x1FFFFFF0, s15  }
0x118: {  	[tilespmem:s9], [sflag:$0x2] =	stream.linear.gather [hbm4b:s7+s1], $0x80, $0x38;
	[tilespmem:$0x10400] =	vst v63  }
0x119: {  	s20 =	sand.u32 $0x1FFFFFF0, s16;
	s23 =	sand.u32 $0x1FFFFFF0, s21;
	s17 =	sadd.s32 s3, s8  }
0x11a: {  	[tilespmem:s14], [sflag:$0x1] =	stream.linear.gather [hbm4b:s17+s1], $0x80, $0x38;
	[tilespmem:$0x10400] =	vst v63  }
0x11b: {  	s22 =	sadd.s32 s4, s20;
	s24 =	spop (v2sf);
	s26 =	sadd.s32 s3, s23  }
0x11c: {  	(v2sf) =	vpush v1, $0xD;
	[tilespmem:s0], [sflag:$0x2] =	stream.linear.gather [hbm4b:s22+s1], $0x80, $0x38;
	[tilespmem:$0x10400] =	vst v63  }
0x11d: {  	(v2sf) =	vpush v63, $0xD;
	s29 =	sand.u32 $0x1FFFFFF0, s24;
	s23 =	simm.s32 $0x110;
	s24 =	simm.s32 $0x310  }
0x11e: {  	(v2sf) =	vpush v1, $0xE;
	[tilespmem:s25], [sflag:$0x1] =	stream.linear.gather [hbm4b:s26+s1], $0x80, $0x38;
	[tilespmem:$0x10400] =	vst v63  }
0x11f: {  	s30 =	sadd.s32 s4, s29;
	(v2sf) =	vpush v63, $0xE;
	s31 =	spop (v2sf);
	s26 =	simm.s32 $0xB00  }
0x120: {  	(v2sf) =	vpush v1, $0xF;
	s25 =	simm.s32 $0x8B00;
	s0 =	sand.u32 $0x1FFFFFF0, s31;
	s2 =	spop (v2sf)  }
0x121: {  	(v2sf) =	vpush v63, $0xF;
	[tilespmem:s5], [sflag:$0x2] =	stream.linear.gather [hbm4b:s30+s1], $0x80, $0x38;
	[tilespmem:$0x10400] =	vst v63  }
.LBB2_4:
0x122: {  	_ =	sdelay $0x4  }
0x123: {  	s0 =	sadd.s32 s3, s0;
	s2 =	sand.u32 $0x1FFFFFF0, s2  }
0x124: {  	[tilespmem:s28], [sflag:$0x1] =	stream.linear.gather [hbm4b:s0+s1], $0x80, $0x38;
	[tilespmem:$0x10400] =	vst v63  }
0x125: {  	s29 =	sadd.s32 s4, s2  }
0x126: {  	[tilespmem:s12], [sflag:$0x2] =	stream.linear.gather [hbm4b:s29+s1], $0x80, $0x38;
	[tilespmem:$0x10400] =	vst v63  }
0x127: {  	s5 =	spop (v2sf)  }
0x128: {  	s30 =	sand.u32 $0x1FFFFFF0, s5;
	s31 =	spop (v2sf)  }
0x129: {  	s2 =	sadd.s32 s3, s30;
	s5 =	sand.u32 $0x1FFFFFF0, s31;
	s6 =	spop (v2sf)  }
0x12a: {  	[tilespmem:s13], [sflag:$0x1] =	stream.linear.gather [hbm4b:s2+s1], $0x80, $0x38;
	[tilespmem:$0x10400] =	vst v63  }
0x12b: {  	s7 =	sadd.s32 s4, s5;
	s8 =	sand.u32 $0x1FFFFFF0, s6;
	s9 =	spop (v2sf)  }
0x12c: {  	[tilespmem:s10], [sflag:$0x2] =	stream.linear.gather [hbm4b:s7+s1], $0x80, $0x38;
	[tilespmem:$0x10400] =	vst v63  }
0x12d: {  	s11 =	sand.u32 $0x1FFFFFF0, s9;
	s12 =	spop (v2sf);
	s10 =	sadd.s32 s3, s8  }
0x12e: {  	[tilespmem:s26], [sflag:$0x1] =	stream.linear.gather [hbm4b:s10+s1], $0x80, $0x38;
	[tilespmem:$0x10400] =	vst v63  }
0x12f: {  	s13 =	sadd.s32 s4, s11;
	s14 =	sand.u32 $0x1FFFFFF0, s12;
	s15 =	spop (v2sf)  }
0x130: {  	[tilespmem:s25], [sflag:$0x2] =	stream.linear.gather [hbm4b:s13+s1], $0x80, $0x38;
	[tilespmem:$0x10400] =	vst v63  }
0x131: {  	s16 =	sadd.s32 $0xB80, s18;
	s2 =	sadd.s32 s3, s14;
	s5 =	sand.u32 $0x1FFFFFF0, s15  }
0x132: {  	[tilespmem:s16], [sflag:$0x1] =	stream.linear.gather [hbm4b:s2+s1], $0x80, $0x38;
	[tilespmem:$0x10400] =	vst v63  }
0x133: {  	s17 =	sadd.s32 $0x8B80, s18;
	s18 =	sadd.s32 s4, s5  }
0x134: {  	[tilespmem:s17], [sflag:$0x2] =	stream.linear.gather [hbm4b:s18+s1], $0x80, $0x38;
	[tilespmem:$0x10400] =	vst v63  }
0x135: {  	v0 =	vld [tilespmem:s23+$0x0]  }
0x136: {  	v2 =	vld [tilespmem:s24+$0x0];
	_ =	sdelay $0x3  }
0x137: {  	v1 =	vshll.u32 v0, $0x4  }
0x138: {  	s20 =	smov.u32 s19;
	v63 =	vshll.u32 v2, $0x4;
	(v2sf) =	vpush v1, $0x0  }
0x139: {  	s18 =	sshra.s32 s20, $0x2;
	(v2sf) =	vpush v63, $0x0  }
0x13a: {  	p0 =	sne.s32 s19, $0x1E000;
	s19 =	sadd.s32 $0x2000, s19;
	s30 =	sadd.s32 $0x8400, s18;
	(v2sf) =	vpush v1, $0x1  }
0x13b: {  	s6 =	sadd.s32 $0x680, s18;
	s0 =	sadd.s32 $0x880, s18;
	s29 =	sadd.s32 $0x400, s18  }
0x13c: {  	s13 =	sadd.s32 $0x600, s18;
	s21 =	sadd.s32 $0x8900, s18;
	s12 =	sadd.s32 $0x580, s18;
	(v2sf) =	vpush v63, $0x1  }
0x13d: {  	s17 =	sadd.s32 $0x8580, s18;
	s22 =	sadd.s32 $0x8A00, s18;
	s20 =	sadd.s32 $0x500, s18  }
0x13e: {  	s14 =	sadd.s32 $0x8600, s18;
	s5 =	sadd.s32 $0xA80, s18;
	s31 =	sadd.s32 $0x8480, s18;
	(v2sf) =	vpush v1, $0x2  }
0x13f: {  	s11 =	sadd.s32 $0x8680, s18;
	s10 =	sadd.s32 $0x700, s18;
	[dreg:$0x9] =	wrdreg s0  }
0x140: {  	s25 =	sadd.s32 $0x8980, s18;
	s26 =	sadd.s32 $0x8A80, s18;
	[dreg:$0x5] =	wrdreg s21;
	(v2sf) =	vpush v63, $0x2  }
0x141: {  	s9 =	sadd.s32 $0x8700, s18;
	s7 =	sadd.s32 $0x8880, s18;
	[dreg:$0x13] =	wrdreg s22  }
0x142: {  	s8 =	sadd.s32 $0x900, s18;
	s15 =	sadd.s32 $0x8800, s18;
	[dreg:$0x7] =	wrdreg s25;
	(v2sf) =	vpush v1, $0x3  }
0x143: {  	s28 =	sadd.s32 $0xA00, s18;
	s16 =	sadd.s32 $0x800, s18;
	[dreg:$0x15] =	wrdreg s26  }
0x144: {  	s23 =	sadd.s32 $0x10, s23;
	s24 =	sadd.s32 $0x10, s24;
	[dreg:$0xd] =	wrdreg s7;
	(v2sf) =	vpush v63, $0x3  }
0x145: {  	s2 =	sadd.s32 $0x980, s18;
	s0 =	sadd.s32 $0x8500, s18;
	[dreg:$0xb] =	wrdreg s8  }
0x146: {  	s8 =	sadd.s32 $0x780, s18;
	[dreg:$0xf] =	wrdreg s15;
	s15 =	sadd.s32 $0x480, s18;
	(v2sf) =	vpush v1, $0x4  }
0x147: {  	s7 =	sadd.s32 $0x8780, s18;
	[dreg:$0x11] =	wrdreg s16;
	s21 =	spop (v2sf)  }
0x148: {  	s26 =	sadd.s32 $0xB00, s18;
	s21 =	sand.u32 $0x1FFFFFF0, s21;
	s22 =	spop (v2sf);
	(v2sf) =	vpush v63, $0x4  }
0x149: {  	s21 =	sadd.s32 s3, s21;
	s22 =	sand.u32 $0x1FFFFFF0, s22;
	s16 =	spop (v2sf)  }
0x14a: {  	(v2sf) =	vpush v1, $0x5;
	[tilespmem:s29], [sflag:$0x1] =	stream.linear.gather [hbm4b:s21+s1], $0x80, $0x38;
	[tilespmem:$0x10400] =	vst v63  }
0x14b: {  	s22 =	sadd.s32 s4, s22;
	s16 =	sand.u32 $0x1FFFFFF0, s16;
	s29 =	spop (v2sf);
	(v2sf) =	vpush v63, $0x5  }
0x14c: {  	[tilespmem:s30], [sflag:$0x2] =	stream.linear.gather [hbm4b:s22+s1], $0x80, $0x38;
	[tilespmem:$0x10400] =	vst v63  }
0x14d: {  	s16 =	sadd.s32 s3, s16;
	s29 =	sand.u32 $0x1FFFFFF0, s29;
	s30 =	spop (v2sf);
	(v2sf) =	vpush v1, $0x6  }
0x14e: {  	[tilespmem:s15], [sflag:$0x1] =	stream.linear.gather [hbm4b:s16+s1], $0x80, $0x38;
	[tilespmem:$0x10400] =	vst v63  }
0x14f: {  	s21 =	sand.u32 $0x1FFFFFF0, s30;
	s22 =	spop (v2sf);
	(v2sf) =	vpush v63, $0x6;
	s16 =	sadd.s32 s4, s29  }
0x150: {  	[tilespmem:s31], [sflag:$0x2] =	stream.linear.gather [hbm4b:s16+s1], $0x80, $0x38;
	[tilespmem:$0x10400] =	vst v63  }
0x151: {  	s29 =	sadd.s32 s3, s21;
	s30 =	sand.u32 $0x1FFFFFF0, s22;
	s31 =	spop (v2sf)  }
0x152: {  	(v2sf) =	vpush v1, $0x7;
	[tilespmem:s20], [sflag:$0x1] =	stream.linear.gather [hbm4b:s29+s1], $0x80, $0x38;
	[tilespmem:$0x10400] =	vst v63  }
0x153: {  	s21 =	sand.u32 $0x1FFFFFF0, s31;
	s22 =	spop (v2sf);
	s20 =	sadd.s32 s4, s30  }
0x154: {  	(v2sf) =	vpush v63, $0x7;
	[tilespmem:s0], [sflag:$0x2] =	stream.linear.gather [hbm4b:s20+s1], $0x80, $0x38;
	[tilespmem:$0x10400] =	vst v63  }
0x155: {  	s29 =	sadd.s32 s3, s21;
	s30 =	sand.u32 $0x1FFFFFF0, s22;
	s31 =	spop (v2sf)  }
0x156: {  	[tilespmem:s12], [sflag:$0x1] =	stream.linear.gather [hbm4b:s29+s1], $0x80, $0x38;
	[tilespmem:$0x10400] =	vst v63  }
0x157: {  	s21 =	sand.u32 $0x1FFFFFF0, s31;
	s20 =	sadd.s32 s4, s30;
	s22 =	spop (v2sf)  }
0x158: {  	(v2sf) =	vpush v1, $0x8;
	[tilespmem:s17], [sflag:$0x2] =	stream.linear.gather [hbm4b:s20+s1], $0x80, $0x38;
	[tilespmem:$0x10400] =	vst v63  }
0x159: {  	s25 =	sadd.s32 $0x8B00, s18;
	s29 =	sadd.s32 s3, s21;
	s31 =	spop (v2sf)  }
0x15a: {  	s12 =	rddreg [dreg:$0x13];
	(v2sf) =	vpush v63, $0x8;
	s30 =	sand.u32 $0x1FFFFFF0, s22;
	s20 =	spop (v2sf)  }
0x15b: {  	(v2sf) =	vpush v1, $0x9;
	[tilespmem:s13], [sflag:$0x1] =	stream.linear.gather [hbm4b:s29+s1], $0x80, $0x38;
	[tilespmem:$0x10400] =	vst v63  }
0x15c: {  	s16 =	sadd.s32 s4, s30;
	s17 =	sand.u32 $0x1FFFFFF0, s31;
	s29 =	spop (v2sf)  }
0x15d: {  	(v2sf) =	vpush v63, $0x9;
	[tilespmem:s14], [sflag:$0x2] =	stream.linear.gather [hbm4b:s16+s1], $0x80, $0x38;
	[tilespmem:$0x10400] =	vst v63  }
0x15e: {  	s22 =	sand.u32 $0x1FFFFFF0, s20;
	s13 =	smov.u32 s5;
	s5 =	spop (v2sf)  }
0x15f: {  	s21 =	sadd.s32 s3, s17;
	s30 =	sadd.s32 s4, s22;
	s14 =	sand.u32 $0x1FFFFFF0, s5  }
0x160: {  	[tilespmem:s6], [sflag:$0x1] =	stream.linear.gather [hbm4b:s21+s1], $0x80, $0x38;
	[tilespmem:$0x10400] =	vst v63  }
0x161: {  	(v2sf) =	vpush v1, $0xA;
	s31 =	sand.u32 $0x1FFFFFF0, s29;
	s16 =	sadd.s32 s4, s14;
	s15 =	spop (v2sf)  }
0x162: {  	[tilespmem:s11], [sflag:$0x2] =	stream.linear.gather [hbm4b:s30+s1], $0x80, $0x38;
	[tilespmem:$0x10400] =	vst v63  }
0x163: {  	(v2sf) =	vpush v63, $0xA;
	s11 =	sadd.s32 s3, s31;
	s17 =	sand.u32 $0x1FFFFFF0, s15;
	s20 =	spop (v2sf)  }
0x164: {  	[tilespmem:s10], [sflag:$0x1] =	stream.linear.gather [hbm4b:s11+s1], $0x80, $0x38;
	[tilespmem:$0x10400] =	vst v63  }
0x165: {  	s21 =	sadd.s32 s3, s17;
	s22 =	sand.u32 $0x1FFFFFF0, s20;
	s10 =	rddreg [dreg:$0x15]  }
0x166: {  	[tilespmem:s9], [sflag:$0x2] =	stream.linear.gather [hbm4b:s16+s1], $0x80, $0x38;
	[tilespmem:$0x10400] =	vst v63  }
0x167: {  	(v2sf) =	vpush v1, $0xB;
	s29 =	spop (v2sf);
	s30 =	sadd.s32 s4, s22;
	s22 =	rddreg [dreg:$0x9]  }
0x168: {  	[tilespmem:s8], [sflag:$0x1] =	stream.linear.gather [hbm4b:s21+s1], $0x80, $0x38;
	[tilespmem:$0x10400] =	vst v63  }
0x169: {  	(v2sf) =	vpush v63, $0xB;
	s31 =	sand.u32 $0x1FFFFFF0, s29;
	s9 =	rddreg [dreg:$0x11];
	s5 =	spop (v2sf)  }
0x16a: {  	(v2sf) =	vpush v1, $0xC;
	s6 =	sadd.s32 s3, s31;
	s16 =	rddreg [dreg:$0xf];
	s8 =	spop (v2sf)  }
0x16b: {  	[tilespmem:s7], [sflag:$0x2] =	stream.linear.gather [hbm4b:s30+s1], $0x80, $0x38;
	[tilespmem:$0x10400] =	vst v63  }
0x16c: {  	(v2sf) =	vpush v63, $0xC;
	s7 =	sand.u32 $0x1FFFFFF0, s5;
	s14 =	sand.u32 $0x1FFFFFF0, s8;
	s15 =	spop (v2sf)  }
0x16d: {  	[tilespmem:s9], [sflag:$0x1] =	stream.linear.gather [hbm4b:s6+s1], $0x80, $0x38;
	[tilespmem:$0x10400] =	vst v63  }
0x16e: {  	s8 =	rddreg [dreg:$0xd];
	s11 =	sadd.s32 s4, s7;
	s17 =	sadd.s32 s3, s14  }
0x16f: {  	[tilespmem:s16], [sflag:$0x2] =	stream.linear.gather [hbm4b:s11+s1], $0x80, $0x38;
	[tilespmem:$0x10400] =	vst v63  }
0x170: {  	s20 =	sand.u32 $0x1FFFFFF0, s15;
	s15 =	rddreg [dreg:$0xb];
	s21 =	spop (v2sf)  }
0x171: {  	[tilespmem:s22], [sflag:$0x1] =	stream.linear.gather [hbm4b:s17+s1], $0x80, $0x38;
	[tilespmem:$0x10400] =	vst v63  }
0x172: {  	s29 =	sadd.s32 s4, s20;
	s30 =	sand.u32 $0x1FFFFFF0, s21;
	s31 =	spop (v2sf)  }
0x173: {  	[tilespmem:s8], [sflag:$0x2] =	stream.linear.gather [hbm4b:s29+s1], $0x80, $0x38;
	[tilespmem:$0x10400] =	vst v63  }
0x174: {  	s21 =	rddreg [dreg:$0x5];
	s9 =	sadd.s32 s3, s30;
	s11 =	sand.u32 $0x1FFFFFF0, s31  }
0x175: {  	[tilespmem:s15], [sflag:$0x1] =	stream.linear.gather [hbm4b:s9+s1], $0x80, $0x38;
	[tilespmem:$0x10400] =	vst v63  }
0x176: {  	s31 =	rddreg [dreg:$0x7];
	s16 =	sadd.s32 s4, s11;
	s14 =	spop (v2sf)  }
0x177: {  	(v2sf) =	vpush v1, $0xD;
	[tilespmem:s21], [sflag:$0x2] =	stream.linear.gather [hbm4b:s16+s1], $0x80, $0x38;
	[tilespmem:$0x10400] =	vst v63  }
.Ltmp1:
0x178: {  	(v2sf) =	vpush v63, $0xD;
	s17 =	sand.u32 $0x1FFFFFF0, s14;
	s20 =	spop (v2sf);
	(pc) =	sbr.rel @p0 .LBB2_4-.Ltmp1, $4  }
0x179: {  	(v2sf) =	vpush v1, $0xE;
	s22 =	sadd.s32 s3, s17;
	s29 =	sand.u32 $0x1FFFFFF0, s20;
	s30 =	spop (v2sf)  }
0x17a: {  	(v2sf) =	vpush v63, $0xE;
	[tilespmem:s2], [sflag:$0x1] =	stream.linear.gather [hbm4b:s22+s1], $0x80, $0x38;
	[tilespmem:$0x10400] =	vst v63  }
0x17b: {  	(v2sf) =	vpush v1, $0xF;
	s5 =	sadd.s32 s4, s29;
	s0 =	sand.u32 $0x1FFFFFF0, s30;
	s2 =	spop (v2sf)  }
0x17c: {  	(v2sf) =	vpush v63, $0xF;
	[tilespmem:s31], [sflag:$0x2] =	stream.linear.gather [hbm4b:s5+s1], $0x80, $0x38;
	[tilespmem:$0x10400] =	vst v63  }
0x17d: {  	_ =	sdelay $0x4  }
0x17e: {  	s0 =	sadd.s32 s3, s0;
	s2 =	sand.u32 $0x1FFFFFF0, s2  }
0x17f: {  	[tilespmem:s28], [sflag:$0x1] =	stream.linear.gather [hbm4b:s0+s1], $0x80, $0x38;
	[tilespmem:$0x10400] =	vst v63  }
0x180: {  	s29 =	sadd.s32 s4, s2  }
0x181: {  	[tilespmem:s12], [sflag:$0x2] =	stream.linear.gather [hbm4b:s29+s1], $0x80, $0x38;
	[tilespmem:$0x10400] =	vst v63  }
0x182: {  	s5 =	spop (v2sf)  }
0x183: {  	s30 =	sand.u32 $0x1FFFFFF0, s5;
	s31 =	spop (v2sf)  }
0x184: {  	s6 =	sadd.s32 s3, s30;
	s7 =	sand.u32 $0x1FFFFFF0, s31;
	s8 =	spop (v2sf)  }
0x185: {  	[tilespmem:s13], [sflag:$0x1] =	stream.linear.gather [hbm4b:s6+s1], $0x80, $0x38;
	[tilespmem:$0x10400] =	vst v63  }
0x186: {  	s9 =	sadd.s32 s4, s7;
	s11 =	sand.u32 $0x1FFFFFF0, s8;
	s12 =	spop (v2sf)  }
0x187: {  	[tilespmem:s10], [sflag:$0x2] =	stream.linear.gather [hbm4b:s9+s1], $0x80, $0x38;
	[tilespmem:$0x10400] =	vst v63  }
0x188: {  	s13 =	sadd.s32 s3, s11;
	s14 =	sand.u32 $0x1FFFFFF0, s12;
	s15 =	spop (v2sf)  }
0x189: {  	[tilespmem:s26], [sflag:$0x1] =	stream.linear.gather [hbm4b:s13+s1], $0x80, $0x38;
	[tilespmem:$0x10400] =	vst v63  }
0x18a: {  	s16 =	sadd.s32 s4, s14;
	s17 =	sand.u32 $0x1FFFFFF0, s15;
	s19 =	spop (v2sf)  }
0x18b: {  	[tilespmem:s25], [sflag:$0x2] =	stream.linear.gather [hbm4b:s16+s1], $0x80, $0x38;
	[tilespmem:$0x10400] =	vst v63  }
0x18c: {  	s20 =	sadd.s32 $0xB80, s18;
	s2 =	sadd.s32 s3, s17;
	s5 =	sand.u32 $0x1FFFFFF0, s19  }
0x18d: {  	[tilespmem:s20], [sflag:$0x1] =	stream.linear.gather [hbm4b:s2+s1], $0x80, $0x38;
	[tilespmem:$0x10400] =	vst v63  }
0x18e: {  	s21 =	sadd.s32 $0x8B80, s18;
	s23 =	simm.s32 $0x1;
	s22 =	sadd.s32 s4, s5  }
0x18f: {  	[tilespmem:s21], [sflag:$0x2] =	stream.linear.gather [hbm4b:s22+s1], $0x80, $0x38;
	[tilespmem:$0x10400] =	vst v63  }
0x190: {  	_ =	swait.ge [sflag:s23], $0x8000  }
0x191: {  	[sflag:s23] =	ssyncset.done $0x0  }
0x192: {  	s24 =	simm.s32 $0x2;
	[sflag:s23] =	ssyncadd.s32 $0xFFFF8000  }
0x193: {  	_ =	swait.ge [sflag:s24], $0x8000  }
0x194: {  	s26 =	simm.s32 $0x400;
	[sflag:s24] =	ssyncset.done $0x0  }
0x195: {  	s5 =	simm.s32 $0x3;
	s25 =	rddreg [dreg:$0x1a];
	[sflag:s24] =	ssyncadd.s32 $0xFFFF8000  }
0x196: {  	[hbm4b:s25+s1] =	stream.linear.scatter [tilespmem:s26], [sflag:$0x3], $0x8000, $0x38;
	[tilespmem:$0x10400] =	vst v63  }
0x197: {  	_ =	swait.ge [sflag:s5], $0x8000  }
0x198: {  	[sflag:s5] =	ssyncset.done $0x0  }
0x199: {  	s29 =	simm.s32 $0x8400;
	s28 =	rddreg [dreg:$0x1b];
	[sflag:s5] =	ssyncadd.s32 $0xFFFF8000  }
0x19a: {  	[hbm4b:s28+s1] =	stream.linear.scatter [tilespmem:s29], [sflag:$0x3], $0x8000, $0x38;
	[tilespmem:$0x10400] =	vst v63  }
0x19b: {  	_ =	swait.ge [sflag:s5], $0x8000  }
0x19c: {  	s30 =	rddreg [dreg:$0x1d]  }
0x19d: {  	s31 =	rddreg [dreg:$0x1c];
	s2 =	sadd.s32 $0x1, s30  }
0x19e: {  	p0 =	sne.s32 s2, s31  }
.Ltmp2:
0x19f: {  	_ = 	snop;
	(pc) =	sbr.rel @p0 .LBB2_1-.Ltmp2, $3  }
0x1a0: {  	_ =	sdelay $0x1  }
0x1a1: {  	[sflag:s5] =	ssyncset.done $0x0  }
0x1a2: {  	[sflag:s5] =	ssyncadd.s32 $0xFFFF8000  }
0x1a3: {  	_ =	sfence.sel $0x180000  }
0x1a4: {  	[bflag:$0x0] =	sbarrier.arrive $0xFFFF  }
0x1a5: {  	_ =	strace $0x90000047  }
0x1a6: {  	s0 =	stileid.u32;
	[bflag:$0x2] =	sbarrier.arrive $0xFFFF  }
0x1a7: {  	p0 =	sne.s32 s0, $0x0;
	s0 =	rddreg [dreg:$0x3]  }
0x1a8: {  	s0 =	sadd.s32 @!p0 $0x100000, s0  }
0x1a9: {  	[sflag:s0] =	ssyncadd.tile.s32 @!p0 $0x1;
	_ =	shalt  }
.Lfunc_end2:
_tile_overlayer_lowered:
.L_overlay_start_2:
0x1aa: {  	(tag) =	ssettag $0x2  }
0x1ab: {  	s0 =	rddreg [dreg:$0x0];
	s2 =	stileid.u32  }
0x1ac: {  	s1 =	rddreg [dreg:$0x1];
	p0 =	sne.s32 s2, $0x0  }
0x1ad: {  	s3 =	rddreg [dreg:$0x2];
	[bflag:$0x3] =	sbarrier.arrive $0xFFFF;
	s2 =	simm.s32 @!p0 $0x1C03  }
0x1ae: {  	[timem:s3], [sflag:s2] =	dma.local @!p0 [hbm:s0], s1  }
0x1af: {  	s0 =	simm.s32 @!p0 $0x3  }
0x1b0: {  	_ =	swait.ge @!p0 [sflag:s0], s1  }
0x1b1: {  	s1 =	ssub.s32 @!p0 $0x0, s1;
	[sflag:s0] =	ssyncset.done @!p0 $0x0  }
0x1b2: {  	[sflag:s0] =	ssyncadd.s32 @!p0 s1  }
0x1b3: {  	[bflag:$0x3] =	sbarrier.arrive $0xFFFF  }
0x1b4: {  	_ =	shalt  }

</sc_bundles>
